<compile_context>
chip_gen: v7x
topology: tpu7x:2x2x1
jax: 0.10.2.dev20260603
libtpu: 0.0.44.dev20260713+nightly
codegen_flags: <defaults>
</compile_context>

<pallas_src>
import jax
import jax.numpy as jnp
from jax import lax
from jax.experimental import pallas as pl
from jax.experimental.pallas import tpu as pltpu
from jax.experimental.pallas import tpu_sc as plsc

_INFO = plsc.get_sparse_core_info()
_NC, _NS, _L = _INFO.num_cores, _INFO.num_subcores, _INFO.num_lanes
_NW = _NC * _NS

_D = 128
_N = 1024 * 200
_PER_W = _N // _NW
_C = 128
_NCHUNK = _PER_W // _C
_NBUF = 5
_PF = 2


def _body(x_hbm, idx3_hbm, pe_hbm, out_hbm,
          idxw, pe_sh, xa0, xa1, xa2, xa3, xa4, sx, sg, so):
    xa = (xa0, xa1, xa2, xa3, xa4)
    sid = lax.axis_index("s")
    wid = sid * _NC + lax.axis_index("c")
    base = wid * _PER_W

    @pl.when(sid == 0)
    def _():
        pltpu.sync_copy(pe_hbm, pe_sh)

    pltpu.sync_copy(idx3_hbm.at[wid], idxw)
    plsc.subcore_barrier()

    def buf(i):
        return xa[i]

    def fill(g, i):
        pltpu.async_copy(x_hbm.at[pl.ds(base + g * _C, _C)], buf(i), sx.at[i])

    for g in range(_PF):
        fill(g, g)

    def rnd(r, carry):
        for i in range(_NBUF):
            g = r * _NBUF + i
            j = (i + _PF) % _NBUF
            p = (i + _NBUF - 1) % _NBUF

            @pl.when(g >= _NBUF - _PF)
            def _():
                pltpu.make_async_copy(
                    buf(j), out_hbm.at[pl.ds(0, _C)], so.at[j]).wait()

            @pl.when(g + _PF < _NCHUNK)
            def _():
                fill(g + _PF, j)

            pltpu.make_async_copy(
                x_hbm.at[pl.ds(0, _C)], buf(i), sx.at[i]).wait()
            pltpu.async_copy(
                pe_sh.at[idxw.at[g]], buf(i), sg.at[i], add=True)

            @pl.when(g >= 1)
            def _():
                pltpu.make_async_copy(
                    pe_sh.at[idxw.at[0]], buf(p), sg.at[p]).wait()
                pltpu.async_copy(
                    buf(p), out_hbm.at[pl.ds(base + (g - 1) * _C, _C)],
                    so.at[p])
        return carry

    lax.fori_loop(0, _NCHUNK // _NBUF, rnd, 0)
    last = (_NCHUNK - 1) % _NBUF
    pltpu.make_async_copy(pe_sh.at[idxw.at[0]], buf(last), sg.at[last]).wait()
    pltpu.async_copy(
        buf(last), out_hbm.at[pl.ds(base + (_NCHUNK - 1) * _C, _C)],
        so.at[last])
    for k in range(_NBUF - _PF):
        b = (last - k) % _NBUF
        pltpu.make_async_copy(buf(b), out_hbm.at[pl.ds(0, _C)], so.at[b]).wait()


@jax.jit
def _run(x2, idx3, pe):
    mesh = plsc.VectorSubcoreMesh(core_axis_name="c", subcore_axis_name="s")
    kfn = pl.kernel(
        _body,
        out_type=jax.ShapeDtypeStruct((_N, _D), jnp.float32),
        mesh=mesh,
        scratch_types=[
            pltpu.VMEM((_NCHUNK, _C), jnp.int32),
            pltpu.VMEM_SHARED((256, _D), jnp.float32),
            pltpu.VMEM((_C, _D), jnp.float32),
            pltpu.VMEM((_C, _D), jnp.float32),
            pltpu.VMEM((_C, _D), jnp.float32),
            pltpu.VMEM((_C, _D), jnp.float32),
            pltpu.VMEM((_C, _D), jnp.float32),
            pltpu.SemaphoreType.DMA((_NBUF,)),
            pltpu.SemaphoreType.DMA((_NBUF,)),
            pltpu.SemaphoreType.DMA((_NBUF,)),
        ],
    )
    return kfn(x2, idx3, pe)


def kernel(x, frame_indices, pe):
    B, T, D = x.shape
    x2 = x.reshape(B * T, D)
    idx3 = frame_indices.reshape(_NW, _NCHUNK, _C).astype(jnp.int32)
    out = _run(x2, idx3, pe)
    return out.reshape(B, T, D)

# --- scband reference (transcript-rebuilt; emitter-appended) ---
"""Pipeline reference for scband-temporal-encoder-3418793967842 (READ-ONLY COPY).

The authoritative reference and input builder live on the scoring server;
editing this copy changes nothing except your own understanding.
"""

import jax, jax.numpy as jnp
import numpy as np


def make_pe(max_frames, d_model):
    position = np.arange(max_frames, dtype=np.float32)[:, None]
    div_term = np.exp(np.arange(0, d_model, 2, dtype=np.float32) * (-np.log(10000.0) / d_model))
    pe = np.zeros((max_frames, d_model), dtype=np.float32)
    pe[:, 0::2] = np.sin(position * div_term)
    pe[:, 1::2] = np.cos(position * div_term)
    return jnp.asarray(pe)


def setup_inputs(seed: int = 0) -> dict:
    key = jax.random.key(seed)
    k1, k2 = jax.random.split(key)
    x = jax.random.normal(k1, (1024, 200, 128), dtype=jnp.float32)
    frame_indices = jax.random.randint(k2, (1024, 200), 0, 256).astype(jnp.int64)
    pe = make_pe(256, 128)
    return {"x": x, "frame_indices": frame_indices, "pe": pe}


def reference(x, frame_indices, pe):
    # Vectorized equivalent of the per-element loop:
    # temporal_enc[i, j] = pe[frame_idx] if frame_idx < max_frames else 0
    max_frames = pe.shape[0]
    idx = frame_indices.astype(jnp.int32)
    valid = idx < max_frames
    safe_idx = jnp.clip(idx, 0, max_frames - 1)
    enc = jnp.take(pe, safe_idx, axis=0)
    enc = jnp.where(valid[..., None], enc, jnp.zeros_like(enc))
    return x + enc

if __name__ == "__main__":
    import jax
    _d = setup_inputs()
    print(jax.jit(kernel)(*tuple(_d.values())))

</pallas_src>

<mosaic_0001>
#map = affine_map<(d0, d1) -> (0, 0)>
#map1 = affine_map<(d0, d1) -> (0, 0, 0)>
module attributes {stable_mosaic.version = 14 : i64} {
  func.func @_body(%arg0: i32, %arg1: i32, %arg2: memref<204800x128xf32, #tpu.memory_space<hbm>>, %arg3: memref<32x50x128xi32, #tpu.memory_space<hbm>>, %arg4: memref<256x128xf32, #tpu.memory_space<hbm>>, %arg5: memref<204800x128xf32, #tpu.memory_space<hbm>>, %arg6: memref<50x128xi32, #tpu.memory_space<vmem>>, %arg7: memref<256x128xf32, #tpu.memory_space<vmem_shared>>, %arg8: memref<128x128xf32, #tpu.memory_space<vmem>>, %arg9: memref<128x128xf32, #tpu.memory_space<vmem>>, %arg10: memref<128x128xf32, #tpu.memory_space<vmem>>, %arg11: memref<128x128xf32, #tpu.memory_space<vmem>>, %arg12: memref<128x128xf32, #tpu.memory_space<vmem>>, %arg13: memref<5x!tpu.dma_semaphore, #tpu.memory_space<semaphore_mem>>, %arg14: memref<5x!tpu.dma_semaphore, #tpu.memory_space<semaphore_mem>>, %arg15: memref<5x!tpu.dma_semaphore, #tpu.memory_space<semaphore_mem>>) attributes {dimension_semantics = [#tpu.dimension_semantics<core_parallel>, #tpu.dimension_semantics<subcore_parallel>], iteration_bounds = array<i64: 2, 16>, scalar_prefetch = 0 : i64, scratch_operands = 10 : i64, tpu.core_type = #tpu.core_type<sc_vector_subcore>, window_params = [{transform_indices = #map}, {transform_indices = #map1}, {transform_indices = #map}, {transform_indices = #map}]} {
    %mul3A = arith.constant 2 : i32
    %mul3A_0 = arith.muli %arg1, %mul3A : i32
    %add3A = arith.addi %mul3A_0, %arg0 : i32
    %mul3A_1 = arith.constant 6400 : i32
    %mul3A_2 = arith.muli %add3A, %mul3A_1 : i32
    %eq3A = arith.constant 0 : i32
    %eq3A_3 = arith.cmpi eq, %arg1, %eq3A : i32
    %convert_element_type3A = arith.extui %eq3A_3 : i1 to i32
    %cond3A = arith.constant 0 : i32
    %cond3A_4 = arith.cmpi ne, %convert_element_type3A, %cond3A : i32
    scf.if %cond3A_4 {
      "tpu.region"() ({
        %run_scoped3A = tpu.sem_alloc : memref<!tpu.dma_semaphore, #tpu.memory_space<semaphore_mem>>
        tpu.enqueue_dma source(%arg4 : memref<256x128xf32, #tpu.memory_space<hbm>>) target(%arg7 : memref<256x128xf32, #tpu.memory_space<vmem_shared>>) target_semaphore(%run_scoped3A : memref<!tpu.dma_semaphore, #tpu.memory_space<semaphore_mem>>)
        tpu.wait_dma2 semaphore(%run_scoped3A : memref<!tpu.dma_semaphore, #tpu.memory_space<semaphore_mem>>) src(%arg4 : memref<256x128xf32, #tpu.memory_space<hbm>>) dst(%arg7 : memref<256x128xf32, #tpu.memory_space<vmem_shared>>)
        tpu.yield
      }) : () -> ()
    } else {
    }
    "tpu.region"() ({
      %run_scoped3A = tpu.sem_alloc : memref<!tpu.dma_semaphore, #tpu.memory_space<semaphore_mem>>
      %dma_start3A_72 = arith.constant 0 : i32
      %dma_start3A_73 = arith.constant 0 : i32
      %dma_start3A_74 = tpu.memref_slice %arg3[%add3A, %dma_start3A_72, %dma_start3A_73] : memref<32x50x128xi32, #tpu.memory_space<hbm>> -> memref<1x50x128xi32, #tpu.memory_space<hbm>>
      %dma_start3A_75 = tpu.memref_squeeze %dma_start3A_74 : memref<1x50x128xi32, #tpu.memory_space<hbm>> -> memref<50x128xi32, #tpu.memory_space<hbm>>
      %dma_start3A_76 = arith.constant 0 : i32
      %dma_start3A_77 = arith.constant 0 : i32
      %dma_start3A_78 = tpu.memref_slice %arg3[%add3A, %dma_start3A_76, %dma_start3A_77] : memref<32x50x128xi32, #tpu.memory_space<hbm>> -> memref<1x50x128xi32, #tpu.memory_space<hbm>>
      %dma_start3A_79 = tpu.memref_squeeze %dma_start3A_78 : memref<1x50x128xi32, #tpu.memory_space<hbm>> -> memref<50x128xi32, #tpu.memory_space<hbm>>
      tpu.enqueue_dma source(%dma_start3A_79 : memref<50x128xi32, #tpu.memory_space<hbm>>) target(%arg6 : memref<50x128xi32, #tpu.memory_space<vmem>>) target_semaphore(%run_scoped3A : memref<!tpu.dma_semaphore, #tpu.memory_space<semaphore_mem>>)
      %dma_wait3A_80 = arith.constant 0 : i32
      %dma_wait3A_81 = arith.constant 0 : i32
      %dma_wait3A_82 = tpu.memref_slice %arg3[%add3A, %dma_wait3A_80, %dma_wait3A_81] : memref<32x50x128xi32, #tpu.memory_space<hbm>> -> memref<1x50x128xi32, #tpu.memory_space<hbm>>
      %dma_wait3A_83 = tpu.memref_squeeze %dma_wait3A_82 : memref<1x50x128xi32, #tpu.memory_space<hbm>> -> memref<50x128xi32, #tpu.memory_space<hbm>>
      %dma_wait3A_84 = arith.constant 0 : i32
      %dma_wait3A_85 = arith.constant 0 : i32
      %dma_wait3A_86 = tpu.memref_slice %arg3[%add3A, %dma_wait3A_84, %dma_wait3A_85] : memref<32x50x128xi32, #tpu.memory_space<hbm>> -> memref<1x50x128xi32, #tpu.memory_space<hbm>>
      %dma_wait3A_87 = tpu.memref_squeeze %dma_wait3A_86 : memref<1x50x128xi32, #tpu.memory_space<hbm>> -> memref<50x128xi32, #tpu.memory_space<hbm>>
      tpu.wait_dma2 semaphore(%run_scoped3A : memref<!tpu.dma_semaphore, #tpu.memory_space<semaphore_mem>>) src(%dma_wait3A_87 : memref<50x128xi32, #tpu.memory_space<hbm>>) dst(%arg6 : memref<50x128xi32, #tpu.memory_space<vmem>>)
      tpu.yield
    }) : () -> ()
    %barrier3A = arith.constant 0 : index
    tpu.barrier barrier_id(%barrier3A)
    %add3A_5 = arith.constant 0 : i32
    %add3A_6 = arith.addi %mul3A_2, %add3A_5 : i32
    %dma_start3A = arith.constant 0 : i32
    %dma_start3A_7 = arith.constant 0 : i32
    %dma_start3A_8 = tpu.memref_slice %arg2[%add3A_6, %dma_start3A_7] : memref<204800x128xf32, #tpu.memory_space<hbm>> -> memref<128x128xf32, #tpu.memory_space<hbm>>
    %dma_start3A_9 = tpu.memref_slice %arg13[%dma_start3A] : memref<5x!tpu.dma_semaphore, #tpu.memory_space<semaphore_mem>> -> memref<1x!tpu.dma_semaphore, #tpu.memory_space<semaphore_mem>>
    %dma_start3A_10 = tpu.memref_squeeze %dma_start3A_9 : memref<1x!tpu.dma_semaphore, #tpu.memory_space<semaphore_mem>> -> memref<!tpu.dma_semaphore, #tpu.memory_space<semaphore_mem>>
    %dma_start3A_11 = arith.constant 0 : i32
    %dma_start3A_12 = tpu.memref_slice %arg2[%add3A_6, %dma_start3A_11] : memref<204800x128xf32, #tpu.memory_space<hbm>> -> memref<128x128xf32, #tpu.memory_space<hbm>>
    tpu.enqueue_dma source(%dma_start3A_12 : memref<128x128xf32, #tpu.memory_space<hbm>>) target(%arg8 : memref<128x128xf32, #tpu.memory_space<vmem>>) target_semaphore(%dma_start3A_10 : memref<!tpu.dma_semaphore, #tpu.memory_space<semaphore_mem>>)
    %add3A_13 = arith.constant 128 : i32
    %add3A_14 = arith.addi %mul3A_2, %add3A_13 : i32
    %dma_start3A_15 = arith.constant 1 : i32
    %dma_start3A_16 = arith.constant 0 : i32
    %dma_start3A_17 = tpu.memref_slice %arg2[%add3A_14, %dma_start3A_16] : memref<204800x128xf32, #tpu.memory_space<hbm>> -> memref<128x128xf32, #tpu.memory_space<hbm>>
    %dma_start3A_18 = tpu.memref_slice %arg13[%dma_start3A_15] : memref<5x!tpu.dma_semaphore, #tpu.memory_space<semaphore_mem>> -> memref<1x!tpu.dma_semaphore, #tpu.memory_space<semaphore_mem>>
    %dma_start3A_19 = tpu.memref_squeeze %dma_start3A_18 : memref<1x!tpu.dma_semaphore, #tpu.memory_space<semaphore_mem>> -> memref<!tpu.dma_semaphore, #tpu.memory_space<semaphore_mem>>
    %dma_start3A_20 = arith.constant 0 : i32
    %dma_start3A_21 = tpu.memref_slice %arg2[%add3A_14, %dma_start3A_20] : memref<204800x128xf32, #tpu.memory_space<hbm>> -> memref<128x128xf32, #tpu.memory_space<hbm>>
    tpu.enqueue_dma source(%dma_start3A_21 : memref<128x128xf32, #tpu.memory_space<hbm>>) target(%arg9 : memref<128x128xf32, #tpu.memory_space<vmem>>) target_semaphore(%dma_start3A_19 : memref<!tpu.dma_semaphore, #tpu.memory_space<semaphore_mem>>)
    %scan3A = arith.constant 0 : i32
    %scan3A_22 = arith.constant 0 : i32
    %scan3A_23 = arith.constant 10 : i32
    %scan3A_24 = arith.addi %scan3A_22, %scan3A_23 : i32
    %scan3A_25 = arith.constant 1 : i32
    scf.for %scan3A_72 = %scan3A_22 to %scan3A_24 step %scan3A_25  : i32 {
      %mul3A_73 = arith.constant 5 : i32
      %mul3A_74 = arith.muli %scan3A_72, %mul3A_73 : i32
      %add3A_75 = arith.constant 0 : i32
      %add3A_76 = arith.addi %mul3A_74, %add3A_75 : i32
      %ge3A = arith.constant 3 : i32
      %ge3A_77 = arith.cmpi sge, %add3A_76, %ge3A : i32
      %convert_element_type3A_78 = arith.extui %ge3A_77 : i1 to i32
      %cond3A_79 = arith.constant 0 : i32
      %cond3A_80 = arith.cmpi ne, %convert_element_type3A_78, %cond3A_79 : i32
      scf.if %cond3A_80 {
        %dma_wait3A_266 = arith.constant 2 : i32
        %dma_wait3A_267 = arith.constant 0 : i32
        %dma_wait3A_268 = arith.constant 0 : i32
        %dma_wait3A_269 = tpu.memref_slice %arg5[%dma_wait3A_267, %dma_wait3A_268] : memref<204800x128xf32, #tpu.memory_space<hbm>> -> memref<128x128xf32, #tpu.memory_space<hbm>>
        %dma_wait3A_270 = tpu.memref_slice %arg15[%dma_wait3A_266] : memref<5x!tpu.dma_semaphore, #tpu.memory_space<semaphore_mem>> -> memref<1x!tpu.dma_semaphore, #tpu.memory_space<semaphore_mem>>
        %dma_wait3A_271 = tpu.memref_squeeze %dma_wait3A_270 : memref<1x!tpu.dma_semaphore, #tpu.memory_space<semaphore_mem>> -> memref<!tpu.dma_semaphore, #tpu.memory_space<semaphore_mem>>
        %dma_wait3A_272 = arith.constant 0 : i32
        %dma_wait3A_273 = arith.constant 0 : i32
        %dma_wait3A_274 = tpu.memref_slice %arg5[%dma_wait3A_272, %dma_wait3A_273] : memref<204800x128xf32, #tpu.memory_space<hbm>> -> memref<128x128xf32, #tpu.memory_space<hbm>>
        tpu.wait_dma2 semaphore(%dma_wait3A_271 : memref<!tpu.dma_semaphore, #tpu.memory_space<semaphore_mem>>) src(%arg10 : memref<128x128xf32, #tpu.memory_space<vmem>>) dst(%dma_wait3A_274 : memref<128x128xf32, #tpu.memory_space<hbm>>)
      } else {
      }
      %add3A_81 = arith.constant 2 : i32
      %add3A_82 = arith.addi %add3A_76, %add3A_81 : i32
      %lt3A = arith.constant 50 : i32
      %lt3A_83 = arith.cmpi slt, %add3A_82, %lt3A : i32
      %convert_element_type3A_84 = arith.extui %lt3A_83 : i1 to i32
      %cond3A_85 = arith.constant 0 : i32
      %cond3A_86 = arith.cmpi ne, %convert_element_type3A_84, %cond3A_85 : i32
      scf.if %cond3A_86 {
        %add3A_266 = arith.constant 2 : i32
        %add3A_267 = arith.addi %add3A_76, %add3A_266 : i32
        %mul3A_268 = arith.constant 128 : i32
        %mul3A_269 = arith.muli %add3A_267, %mul3A_268 : i32
        %add3A_270 = arith.addi %mul3A_2, %mul3A_269 : i32
        %dma_start3A_271 = arith.constant 2 : i32
        %dma_start3A_272 = arith.constant 0 : i32
        %dma_start3A_273 = tpu.memref_slice %arg2[%add3A_270, %dma_start3A_272] : memref<204800x128xf32, #tpu.memory_space<hbm>> -> memref<128x128xf32, #tpu.memory_space<hbm>>
        %dma_start3A_274 = tpu.memref_slice %arg13[%dma_start3A_271] : memref<5x!tpu.dma_semaphore, #tpu.memory_space<semaphore_mem>> -> memref<1x!tpu.dma_semaphore, #tpu.memory_space<semaphore_mem>>
        %dma_start3A_275 = tpu.memref_squeeze %dma_start3A_274 : memref<1x!tpu.dma_semaphore, #tpu.memory_space<semaphore_mem>> -> memref<!tpu.dma_semaphore, #tpu.memory_space<semaphore_mem>>
        %dma_start3A_276 = arith.constant 0 : i32
        %dma_start3A_277 = tpu.memref_slice %arg2[%add3A_270, %dma_start3A_276] : memref<204800x128xf32, #tpu.memory_space<hbm>> -> memref<128x128xf32, #tpu.memory_space<hbm>>
        tpu.enqueue_dma source(%dma_start3A_277 : memref<128x128xf32, #tpu.memory_space<hbm>>) target(%arg10 : memref<128x128xf32, #tpu.memory_space<vmem>>) target_semaphore(%dma_start3A_275 : memref<!tpu.dma_semaphore, #tpu.memory_space<semaphore_mem>>)
      } else {
      }
      %dma_wait3A_87 = arith.constant 0 : i32
      %dma_wait3A_88 = arith.constant 0 : i32
      %dma_wait3A_89 = arith.constant 0 : i32
      %dma_wait3A_90 = tpu.memref_slice %arg2[%dma_wait3A_88, %dma_wait3A_89] : memref<204800x128xf32, #tpu.memory_space<hbm>> -> memref<128x128xf32, #tpu.memory_space<hbm>>
      %dma_wait3A_91 = tpu.memref_slice %arg13[%dma_wait3A_87] : memref<5x!tpu.dma_semaphore, #tpu.memory_space<semaphore_mem>> -> memref<1x!tpu.dma_semaphore, #tpu.memory_space<semaphore_mem>>
      %dma_wait3A_92 = tpu.memref_squeeze %dma_wait3A_91 : memref<1x!tpu.dma_semaphore, #tpu.memory_space<semaphore_mem>> -> memref<!tpu.dma_semaphore, #tpu.memory_space<semaphore_mem>>
      %dma_wait3A_93 = arith.constant 0 : i32
      %dma_wait3A_94 = arith.constant 0 : i32
      %dma_wait3A_95 = tpu.memref_slice %arg2[%dma_wait3A_93, %dma_wait3A_94] : memref<204800x128xf32, #tpu.memory_space<hbm>> -> memref<128x128xf32, #tpu.memory_space<hbm>>
      tpu.wait_dma2 semaphore(%dma_wait3A_92 : memref<!tpu.dma_semaphore, #tpu.memory_space<semaphore_mem>>) src(%dma_wait3A_95 : memref<128x128xf32, #tpu.memory_space<hbm>>) dst(%arg8 : memref<128x128xf32, #tpu.memory_space<vmem>>)
      %dma_start3A_96 = arith.constant 0 : i32
      %dma_start3A_97 = arith.constant 0 : i32
      %dma_start3A_98 = tpu.memref_slice %arg6[%add3A_76, %dma_start3A_97] : memref<50x128xi32, #tpu.memory_space<vmem>> -> memref<1x128xi32, #tpu.memory_space<vmem>>
      %dma_start3A_99 = tpu.memref_squeeze %dma_start3A_98 : memref<1x128xi32, #tpu.memory_space<vmem>> -> memref<128xi32, #tpu.memory_space<vmem>>
      %dma_start3A_100 = arith.constant 0 : i32
      %dma_start3A_101 = arith.constant 0 : i32
      %dma_start3A_102 = tpu.memref_slice %arg7[%dma_start3A_100, %dma_start3A_101] : memref<256x128xf32, #tpu.memory_space<vmem_shared>> -> memref<256x128xf32, #tpu.memory_space<vmem_shared>>
      %dma_start3A_103 = tpu.memref_slice %arg14[%dma_start3A_96] : memref<5x!tpu.dma_semaphore, #tpu.memory_space<semaphore_mem>> -> memref<1x!tpu.dma_semaphore, #tpu.memory_space<semaphore_mem>>
      %dma_start3A_104 = tpu.memref_squeeze %dma_start3A_103 : memref<1x!tpu.dma_semaphore, #tpu.memory_space<semaphore_mem>> -> memref<!tpu.dma_semaphore, #tpu.memory_space<semaphore_mem>>
      tpu.enqueue_indirect_dma source(%dma_start3A_102 : memref<256x128xf32, #tpu.memory_space<vmem_shared>>) target(%arg8 : memref<128x128xf32, #tpu.memory_space<vmem>>) offsets(%dma_start3A_99 : memref<128xi32, #tpu.memory_space<vmem>>) semaphore(%dma_start3A_104 : memref<!tpu.dma_semaphore, #tpu.memory_space<semaphore_mem>>) {add = true}
      %ge3A_105 = arith.constant 1 : i32
      %ge3A_106 = arith.cmpi sge, %add3A_76, %ge3A_105 : i32
      %convert_element_type3A_107 = arith.extui %ge3A_106 : i1 to i32
      %cond3A_108 = arith.constant 0 : i32
      %cond3A_109 = arith.cmpi ne, %convert_element_type3A_107, %cond3A_108 : i32
      scf.if %cond3A_109 {
        %dma_wait3A_266 = arith.constant 0 : i32
        %dma_wait3A_267 = arith.constant 4 : i32
        %dma_wait3A_268 = arith.constant 0 : i32
        %dma_wait3A_269 = tpu.memref_slice %arg6[%dma_wait3A_266, %dma_wait3A_268] : memref<50x128xi32, #tpu.memory_space<vmem>> -> memref<1x128xi32, #tpu.memory_space<vmem>>
        %dma_wait3A_270 = tpu.memref_squeeze %dma_wait3A_269 : memref<1x128xi32, #tpu.memory_space<vmem>> -> memref<128xi32, #tpu.memory_space<vmem>>
        %dma_wait3A_271 = arith.constant 0 : i32
        %dma_wait3A_272 = arith.constant 0 : i32
        %dma_wait3A_273 = tpu.memref_slice %arg7[%dma_wait3A_271, %dma_wait3A_272] : memref<256x128xf32, #tpu.memory_space<vmem_shared>> -> memref<256x128xf32, #tpu.memory_space<vmem_shared>>
        %dma_wait3A_274 = tpu.memref_slice %arg14[%dma_wait3A_267] : memref<5x!tpu.dma_semaphore, #tpu.memory_space<semaphore_mem>> -> memref<1x!tpu.dma_semaphore, #tpu.memory_space<semaphore_mem>>
        %dma_wait3A_275 = tpu.memref_squeeze %dma_wait3A_274 : memref<1x!tpu.dma_semaphore, #tpu.memory_space<semaphore_mem>> -> memref<!tpu.dma_semaphore, #tpu.memory_space<semaphore_mem>>
        tpu.wait_indirect_dma semaphore(%dma_wait3A_275 : memref<!tpu.dma_semaphore, #tpu.memory_space<semaphore_mem>>) src(%dma_wait3A_273 : memref<256x128xf32, #tpu.memory_space<vmem_shared>>) dst(%arg12 : memref<128x128xf32, #tpu.memory_space<vmem>>)
        %sub3A = arith.constant 1 : i32
        %sub3A_276 = arith.subi %add3A_76, %sub3A : i32
        %mul3A_277 = arith.constant 128 : i32
        %mul3A_278 = arith.muli %sub3A_276, %mul3A_277 : i32
        %add3A_279 = arith.addi %mul3A_2, %mul3A_278 : i32
        %dma_start3A_280 = arith.constant 4 : i32
        %dma_start3A_281 = arith.constant 0 : i32
        %dma_start3A_282 = tpu.memref_slice %arg5[%add3A_279, %dma_start3A_281] : memref<204800x128xf32, #tpu.memory_space<hbm>> -> memref<128x128xf32, #tpu.memory_space<hbm>>
        %dma_start3A_283 = tpu.memref_slice %arg15[%dma_start3A_280] : memref<5x!tpu.dma_semaphore, #tpu.memory_space<semaphore_mem>> -> memref<1x!tpu.dma_semaphore, #tpu.memory_space<semaphore_mem>>
        %dma_start3A_284 = tpu.memref_squeeze %dma_start3A_283 : memref<1x!tpu.dma_semaphore, #tpu.memory_space<semaphore_mem>> -> memref<!tpu.dma_semaphore, #tpu.memory_space<semaphore_mem>>
        %dma_start3A_285 = arith.constant 0 : i32
        %dma_start3A_286 = tpu.memref_slice %arg5[%add3A_279, %dma_start3A_285] : memref<204800x128xf32, #tpu.memory_space<hbm>> -> memref<128x128xf32, #tpu.memory_space<hbm>>
        tpu.enqueue_dma source(%arg12 : memref<128x128xf32, #tpu.memory_space<vmem>>) target(%dma_start3A_286 : memref<128x128xf32, #tpu.memory_space<hbm>>) target_semaphore(%dma_start3A_284 : memref<!tpu.dma_semaphore, #tpu.memory_space<semaphore_mem>>)
      } else {
      }
      %mul3A_110 = arith.constant 5 : i32
      %mul3A_111 = arith.muli %scan3A_72, %mul3A_110 : i32
      %add3A_112 = arith.constant 1 : i32
      %add3A_113 = arith.addi %mul3A_111, %add3A_112 : i32
      %ge3A_114 = arith.constant 3 : i32
      %ge3A_115 = arith.cmpi sge, %add3A_113, %ge3A_114 : i32
      %convert_element_type3A_116 = arith.extui %ge3A_115 : i1 to i32
      %cond3A_117 = arith.constant 0 : i32
      %cond3A_118 = arith.cmpi ne, %convert_element_type3A_116, %cond3A_117 : i32
      scf.if %cond3A_118 {
        %dma_wait3A_266 = arith.constant 3 : i32
        %dma_wait3A_267 = arith.constant 0 : i32
        %dma_wait3A_268 = arith.constant 0 : i32
        %dma_wait3A_269 = tpu.memref_slice %arg5[%dma_wait3A_267, %dma_wait3A_268] : memref<204800x128xf32, #tpu.memory_space<hbm>> -> memref<128x128xf32, #tpu.memory_space<hbm>>
        %dma_wait3A_270 = tpu.memref_slice %arg15[%dma_wait3A_266] : memref<5x!tpu.dma_semaphore, #tpu.memory_space<semaphore_mem>> -> memref<1x!tpu.dma_semaphore, #tpu.memory_space<semaphore_mem>>
        %dma_wait3A_271 = tpu.memref_squeeze %dma_wait3A_270 : memref<1x!tpu.dma_semaphore, #tpu.memory_space<semaphore_mem>> -> memref<!tpu.dma_semaphore, #tpu.memory_space<semaphore_mem>>
        %dma_wait3A_272 = arith.constant 0 : i32
        %dma_wait3A_273 = arith.constant 0 : i32
        %dma_wait3A_274 = tpu.memref_slice %arg5[%dma_wait3A_272, %dma_wait3A_273] : memref<204800x128xf32, #tpu.memory_space<hbm>> -> memref<128x128xf32, #tpu.memory_space<hbm>>
        tpu.wait_dma2 semaphore(%dma_wait3A_271 : memref<!tpu.dma_semaphore, #tpu.memory_space<semaphore_mem>>) src(%arg11 : memref<128x128xf32, #tpu.memory_space<vmem>>) dst(%dma_wait3A_274 : memref<128x128xf32, #tpu.memory_space<hbm>>)
      } else {
      }
      %add3A_119 = arith.constant 2 : i32
      %add3A_120 = arith.addi %add3A_113, %add3A_119 : i32
      %lt3A_121 = arith.constant 50 : i32
      %lt3A_122 = arith.cmpi slt, %add3A_120, %lt3A_121 : i32
      %convert_element_type3A_123 = arith.extui %lt3A_122 : i1 to i32
      %cond3A_124 = arith.constant 0 : i32
      %cond3A_125 = arith.cmpi ne, %convert_element_type3A_123, %cond3A_124 : i32
      scf.if %cond3A_125 {
        %add3A_266 = arith.constant 2 : i32
        %add3A_267 = arith.addi %add3A_113, %add3A_266 : i32
        %mul3A_268 = arith.constant 128 : i32
        %mul3A_269 = arith.muli %add3A_267, %mul3A_268 : i32
        %add3A_270 = arith.addi %mul3A_2, %mul3A_269 : i32
        %dma_start3A_271 = arith.constant 3 : i32
        %dma_start3A_272 = arith.constant 0 : i32
        %dma_start3A_273 = tpu.memref_slice %arg2[%add3A_270, %dma_start3A_272] : memref<204800x128xf32, #tpu.memory_space<hbm>> -> memref<128x128xf32, #tpu.memory_space<hbm>>
        %dma_start3A_274 = tpu.memref_slice %arg13[%dma_start3A_271] : memref<5x!tpu.dma_semaphore, #tpu.memory_space<semaphore_mem>> -> memref<1x!tpu.dma_semaphore, #tpu.memory_space<semaphore_mem>>
        %dma_start3A_275 = tpu.memref_squeeze %dma_start3A_274 : memref<1x!tpu.dma_semaphore, #tpu.memory_space<semaphore_mem>> -> memref<!tpu.dma_semaphore, #tpu.memory_space<semaphore_mem>>
        %dma_start3A_276 = arith.constant 0 : i32
        %dma_start3A_277 = tpu.memref_slice %arg2[%add3A_270, %dma_start3A_276] : memref<204800x128xf32, #tpu.memory_space<hbm>> -> memref<128x128xf32, #tpu.memory_space<hbm>>
        tpu.enqueue_dma source(%dma_start3A_277 : memref<128x128xf32, #tpu.memory_space<hbm>>) target(%arg11 : memref<128x128xf32, #tpu.memory_space<vmem>>) target_semaphore(%dma_start3A_275 : memref<!tpu.dma_semaphore, #tpu.memory_space<semaphore_mem>>)
      } else {
      }
      %dma_wait3A_126 = arith.constant 1 : i32
      %dma_wait3A_127 = arith.constant 0 : i32
      %dma_wait3A_128 = arith.constant 0 : i32
      %dma_wait3A_129 = tpu.memref_slice %arg2[%dma_wait3A_127, %dma_wait3A_128] : memref<204800x128xf32, #tpu.memory_space<hbm>> -> memref<128x128xf32, #tpu.memory_space<hbm>>
      %dma_wait3A_130 = tpu.memref_slice %arg13[%dma_wait3A_126] : memref<5x!tpu.dma_semaphore, #tpu.memory_space<semaphore_mem>> -> memref<1x!tpu.dma_semaphore, #tpu.memory_space<semaphore_mem>>
      %dma_wait3A_131 = tpu.memref_squeeze %dma_wait3A_130 : memref<1x!tpu.dma_semaphore, #tpu.memory_space<semaphore_mem>> -> memref<!tpu.dma_semaphore, #tpu.memory_space<semaphore_mem>>
      %dma_wait3A_132 = arith.constant 0 : i32
      %dma_wait3A_133 = arith.constant 0 : i32
      %dma_wait3A_134 = tpu.memref_slice %arg2[%dma_wait3A_132, %dma_wait3A_133] : memref<204800x128xf32, #tpu.memory_space<hbm>> -> memref<128x128xf32, #tpu.memory_space<hbm>>
      tpu.wait_dma2 semaphore(%dma_wait3A_131 : memref<!tpu.dma_semaphore, #tpu.memory_space<semaphore_mem>>) src(%dma_wait3A_134 : memref<128x128xf32, #tpu.memory_space<hbm>>) dst(%arg9 : memref<128x128xf32, #tpu.memory_space<vmem>>)
      %dma_start3A_135 = arith.constant 1 : i32
      %dma_start3A_136 = arith.constant 0 : i32
      %dma_start3A_137 = tpu.memref_slice %arg6[%add3A_113, %dma_start3A_136] : memref<50x128xi32, #tpu.memory_space<vmem>> -> memref<1x128xi32, #tpu.memory_space<vmem>>
      %dma_start3A_138 = tpu.memref_squeeze %dma_start3A_137 : memref<1x128xi32, #tpu.memory_space<vmem>> -> memref<128xi32, #tpu.memory_space<vmem>>
      %dma_start3A_139 = arith.constant 0 : i32
      %dma_start3A_140 = arith.constant 0 : i32
      %dma_start3A_141 = tpu.memref_slice %arg7[%dma_start3A_139, %dma_start3A_140] : memref<256x128xf32, #tpu.memory_space<vmem_shared>> -> memref<256x128xf32, #tpu.memory_space<vmem_shared>>
      %dma_start3A_142 = tpu.memref_slice %arg14[%dma_start3A_135] : memref<5x!tpu.dma_semaphore, #tpu.memory_space<semaphore_mem>> -> memref<1x!tpu.dma_semaphore, #tpu.memory_space<semaphore_mem>>
      %dma_start3A_143 = tpu.memref_squeeze %dma_start3A_142 : memref<1x!tpu.dma_semaphore, #tpu.memory_space<semaphore_mem>> -> memref<!tpu.dma_semaphore, #tpu.memory_space<semaphore_mem>>
      tpu.enqueue_indirect_dma source(%dma_start3A_141 : memref<256x128xf32, #tpu.memory_space<vmem_shared>>) target(%arg9 : memref<128x128xf32, #tpu.memory_space<vmem>>) offsets(%dma_start3A_138 : memref<128xi32, #tpu.memory_space<vmem>>) semaphore(%dma_start3A_143 : memref<!tpu.dma_semaphore, #tpu.memory_space<semaphore_mem>>) {add = true}
      %ge3A_144 = arith.constant 1 : i32
      %ge3A_145 = arith.cmpi sge, %add3A_113, %ge3A_144 : i32
      %convert_element_type3A_146 = arith.extui %ge3A_145 : i1 to i32
      %cond3A_147 = arith.constant 0 : i32
      %cond3A_148 = arith.cmpi ne, %convert_element_type3A_146, %cond3A_147 : i32
      scf.if %cond3A_148 {
        %dma_wait3A_266 = arith.constant 0 : i32
        %dma_wait3A_267 = arith.constant 0 : i32
        %dma_wait3A_268 = arith.constant 0 : i32
        %dma_wait3A_269 = tpu.memref_slice %arg6[%dma_wait3A_266, %dma_wait3A_268] : memref<50x128xi32, #tpu.memory_space<vmem>> -> memref<1x128xi32, #tpu.memory_space<vmem>>
        %dma_wait3A_270 = tpu.memref_squeeze %dma_wait3A_269 : memref<1x128xi32, #tpu.memory_space<vmem>> -> memref<128xi32, #tpu.memory_space<vmem>>
        %dma_wait3A_271 = arith.constant 0 : i32
        %dma_wait3A_272 = arith.constant 0 : i32
        %dma_wait3A_273 = tpu.memref_slice %arg7[%dma_wait3A_271, %dma_wait3A_272] : memref<256x128xf32, #tpu.memory_space<vmem_shared>> -> memref<256x128xf32, #tpu.memory_space<vmem_shared>>
        %dma_wait3A_274 = tpu.memref_slice %arg14[%dma_wait3A_267] : memref<5x!tpu.dma_semaphore, #tpu.memory_space<semaphore_mem>> -> memref<1x!tpu.dma_semaphore, #tpu.memory_space<semaphore_mem>>
        %dma_wait3A_275 = tpu.memref_squeeze %dma_wait3A_274 : memref<1x!tpu.dma_semaphore, #tpu.memory_space<semaphore_mem>> -> memref<!tpu.dma_semaphore, #tpu.memory_space<semaphore_mem>>
        tpu.wait_indirect_dma semaphore(%dma_wait3A_275 : memref<!tpu.dma_semaphore, #tpu.memory_space<semaphore_mem>>) src(%dma_wait3A_273 : memref<256x128xf32, #tpu.memory_space<vmem_shared>>) dst(%arg8 : memref<128x128xf32, #tpu.memory_space<vmem>>)
        %sub3A = arith.constant 1 : i32
        %sub3A_276 = arith.subi %add3A_113, %sub3A : i32
        %mul3A_277 = arith.constant 128 : i32
        %mul3A_278 = arith.muli %sub3A_276, %mul3A_277 : i32
        %add3A_279 = arith.addi %mul3A_2, %mul3A_278 : i32
        %dma_start3A_280 = arith.constant 0 : i32
        %dma_start3A_281 = arith.constant 0 : i32
        %dma_start3A_282 = tpu.memref_slice %arg5[%add3A_279, %dma_start3A_281] : memref<204800x128xf32, #tpu.memory_space<hbm>> -> memref<128x128xf32, #tpu.memory_space<hbm>>
        %dma_start3A_283 = tpu.memref_slice %arg15[%dma_start3A_280] : memref<5x!tpu.dma_semaphore, #tpu.memory_space<semaphore_mem>> -> memref<1x!tpu.dma_semaphore, #tpu.memory_space<semaphore_mem>>
        %dma_start3A_284 = tpu.memref_squeeze %dma_start3A_283 : memref<1x!tpu.dma_semaphore, #tpu.memory_space<semaphore_mem>> -> memref<!tpu.dma_semaphore, #tpu.memory_space<semaphore_mem>>
        %dma_start3A_285 = arith.constant 0 : i32
        %dma_start3A_286 = tpu.memref_slice %arg5[%add3A_279, %dma_start3A_285] : memref<204800x128xf32, #tpu.memory_space<hbm>> -> memref<128x128xf32, #tpu.memory_space<hbm>>
        tpu.enqueue_dma source(%arg8 : memref<128x128xf32, #tpu.memory_space<vmem>>) target(%dma_start3A_286 : memref<128x128xf32, #tpu.memory_space<hbm>>) target_semaphore(%dma_start3A_284 : memref<!tpu.dma_semaphore, #tpu.memory_space<semaphore_mem>>)
      } else {
      }
      %mul3A_149 = arith.constant 5 : i32
      %mul3A_150 = arith.muli %scan3A_72, %mul3A_149 : i32
      %add3A_151 = arith.constant 2 : i32
      %add3A_152 = arith.addi %mul3A_150, %add3A_151 : i32
      %ge3A_153 = arith.constant 3 : i32
      %ge3A_154 = arith.cmpi sge, %add3A_152, %ge3A_153 : i32
      %convert_element_type3A_155 = arith.extui %ge3A_154 : i1 to i32
      %cond3A_156 = arith.constant 0 : i32
      %cond3A_157 = arith.cmpi ne, %convert_element_type3A_155, %cond3A_156 : i32
      scf.if %cond3A_157 {
        %dma_wait3A_266 = arith.constant 4 : i32
        %dma_wait3A_267 = arith.constant 0 : i32
        %dma_wait3A_268 = arith.constant 0 : i32
        %dma_wait3A_269 = tpu.memref_slice %arg5[%dma_wait3A_267, %dma_wait3A_268] : memref<204800x128xf32, #tpu.memory_space<hbm>> -> memref<128x128xf32, #tpu.memory_space<hbm>>
        %dma_wait3A_270 = tpu.memref_slice %arg15[%dma_wait3A_266] : memref<5x!tpu.dma_semaphore, #tpu.memory_space<semaphore_mem>> -> memref<1x!tpu.dma_semaphore, #tpu.memory_space<semaphore_mem>>
        %dma_wait3A_271 = tpu.memref_squeeze %dma_wait3A_270 : memref<1x!tpu.dma_semaphore, #tpu.memory_space<semaphore_mem>> -> memref<!tpu.dma_semaphore, #tpu.memory_space<semaphore_mem>>
        %dma_wait3A_272 = arith.constant 0 : i32
        %dma_wait3A_273 = arith.constant 0 : i32
        %dma_wait3A_274 = tpu.memref_slice %arg5[%dma_wait3A_272, %dma_wait3A_273] : memref<204800x128xf32, #tpu.memory_space<hbm>> -> memref<128x128xf32, #tpu.memory_space<hbm>>
        tpu.wait_dma2 semaphore(%dma_wait3A_271 : memref<!tpu.dma_semaphore, #tpu.memory_space<semaphore_mem>>) src(%arg12 : memref<128x128xf32, #tpu.memory_space<vmem>>) dst(%dma_wait3A_274 : memref<128x128xf32, #tpu.memory_space<hbm>>)
      } else {
      }
      %add3A_158 = arith.constant 2 : i32
      %add3A_159 = arith.addi %add3A_152, %add3A_158 : i32
      %lt3A_160 = arith.constant 50 : i32
      %lt3A_161 = arith.cmpi slt, %add3A_159, %lt3A_160 : i32
      %convert_element_type3A_162 = arith.extui %lt3A_161 : i1 to i32
      %cond3A_163 = arith.constant 0 : i32
      %cond3A_164 = arith.cmpi ne, %convert_element_type3A_162, %cond3A_163 : i32
      scf.if %cond3A_164 {
        %add3A_266 = arith.constant 2 : i32
        %add3A_267 = arith.addi %add3A_152, %add3A_266 : i32
        %mul3A_268 = arith.constant 128 : i32
        %mul3A_269 = arith.muli %add3A_267, %mul3A_268 : i32
        %add3A_270 = arith.addi %mul3A_2, %mul3A_269 : i32
        %dma_start3A_271 = arith.constant 4 : i32
        %dma_start3A_272 = arith.constant 0 : i32
        %dma_start3A_273 = tpu.memref_slice %arg2[%add3A_270, %dma_start3A_272] : memref<204800x128xf32, #tpu.memory_space<hbm>> -> memref<128x128xf32, #tpu.memory_space<hbm>>
        %dma_start3A_274 = tpu.memref_slice %arg13[%dma_start3A_271] : memref<5x!tpu.dma_semaphore, #tpu.memory_space<semaphore_mem>> -> memref<1x!tpu.dma_semaphore, #tpu.memory_space<semaphore_mem>>
        %dma_start3A_275 = tpu.memref_squeeze %dma_start3A_274 : memref<1x!tpu.dma_semaphore, #tpu.memory_space<semaphore_mem>> -> memref<!tpu.dma_semaphore, #tpu.memory_space<semaphore_mem>>
        %dma_start3A_276 = arith.constant 0 : i32
        %dma_start3A_277 = tpu.memref_slice %arg2[%add3A_270, %dma_start3A_276] : memref<204800x128xf32, #tpu.memory_space<hbm>> -> memref<128x128xf32, #tpu.memory_space<hbm>>
        tpu.enqueue_dma source(%dma_start3A_277 : memref<128x128xf32, #tpu.memory_space<hbm>>) target(%arg12 : memref<128x128xf32, #tpu.memory_space<vmem>>) target_semaphore(%dma_start3A_275 : memref<!tpu.dma_semaphore, #tpu.memory_space<semaphore_mem>>)
      } else {
      }
      %dma_wait3A_165 = arith.constant 2 : i32
      %dma_wait3A_166 = arith.constant 0 : i32
      %dma_wait3A_167 = arith.constant 0 : i32
      %dma_wait3A_168 = tpu.memref_slice %arg2[%dma_wait3A_166, %dma_wait3A_167] : memref<204800x128xf32, #tpu.memory_space<hbm>> -> memref<128x128xf32, #tpu.memory_space<hbm>>
      %dma_wait3A_169 = tpu.memref_slice %arg13[%dma_wait3A_165] : memref<5x!tpu.dma_semaphore, #tpu.memory_space<semaphore_mem>> -> memref<1x!tpu.dma_semaphore, #tpu.memory_space<semaphore_mem>>
      %dma_wait3A_170 = tpu.memref_squeeze %dma_wait3A_169 : memref<1x!tpu.dma_semaphore, #tpu.memory_space<semaphore_mem>> -> memref<!tpu.dma_semaphore, #tpu.memory_space<semaphore_mem>>
      %dma_wait3A_171 = arith.constant 0 : i32
      %dma_wait3A_172 = arith.constant 0 : i32
      %dma_wait3A_173 = tpu.memref_slice %arg2[%dma_wait3A_171, %dma_wait3A_172] : memref<204800x128xf32, #tpu.memory_space<hbm>> -> memref<128x128xf32, #tpu.memory_space<hbm>>
      tpu.wait_dma2 semaphore(%dma_wait3A_170 : memref<!tpu.dma_semaphore, #tpu.memory_space<semaphore_mem>>) src(%dma_wait3A_173 : memref<128x128xf32, #tpu.memory_space<hbm>>) dst(%arg10 : memref<128x128xf32, #tpu.memory_space<vmem>>)
      %dma_start3A_174 = arith.constant 2 : i32
      %dma_start3A_175 = arith.constant 0 : i32
      %dma_start3A_176 = tpu.memref_slice %arg6[%add3A_152, %dma_start3A_175] : memref<50x128xi32, #tpu.memory_space<vmem>> -> memref<1x128xi32, #tpu.memory_space<vmem>>
      %dma_start3A_177 = tpu.memref_squeeze %dma_start3A_176 : memref<1x128xi32, #tpu.memory_space<vmem>> -> memref<128xi32, #tpu.memory_space<vmem>>
      %dma_start3A_178 = arith.constant 0 : i32
      %dma_start3A_179 = arith.constant 0 : i32
      %dma_start3A_180 = tpu.memref_slice %arg7[%dma_start3A_178, %dma_start3A_179] : memref<256x128xf32, #tpu.memory_space<vmem_shared>> -> memref<256x128xf32, #tpu.memory_space<vmem_shared>>
      %dma_start3A_181 = tpu.memref_slice %arg14[%dma_start3A_174] : memref<5x!tpu.dma_semaphore, #tpu.memory_space<semaphore_mem>> -> memref<1x!tpu.dma_semaphore, #tpu.memory_space<semaphore_mem>>
      %dma_start3A_182 = tpu.memref_squeeze %dma_start3A_181 : memref<1x!tpu.dma_semaphore, #tpu.memory_space<semaphore_mem>> -> memref<!tpu.dma_semaphore, #tpu.memory_space<semaphore_mem>>
      tpu.enqueue_indirect_dma source(%dma_start3A_180 : memref<256x128xf32, #tpu.memory_space<vmem_shared>>) target(%arg10 : memref<128x128xf32, #tpu.memory_space<vmem>>) offsets(%dma_start3A_177 : memref<128xi32, #tpu.memory_space<vmem>>) semaphore(%dma_start3A_182 : memref<!tpu.dma_semaphore, #tpu.memory_space<semaphore_mem>>) {add = true}
      %ge3A_183 = arith.constant 1 : i32
      %ge3A_184 = arith.cmpi sge, %add3A_152, %ge3A_183 : i32
      %convert_element_type3A_185 = arith.extui %ge3A_184 : i1 to i32
      %cond3A_186 = arith.constant 0 : i32
      %cond3A_187 = arith.cmpi ne, %convert_element_type3A_185, %cond3A_186 : i32
      scf.if %cond3A_187 {
        %dma_wait3A_266 = arith.constant 0 : i32
        %dma_wait3A_267 = arith.constant 1 : i32
        %dma_wait3A_268 = arith.constant 0 : i32
        %dma_wait3A_269 = tpu.memref_slice %arg6[%dma_wait3A_266, %dma_wait3A_268] : memref<50x128xi32, #tpu.memory_space<vmem>> -> memref<1x128xi32, #tpu.memory_space<vmem>>
        %dma_wait3A_270 = tpu.memref_squeeze %dma_wait3A_269 : memref<1x128xi32, #tpu.memory_space<vmem>> -> memref<128xi32, #tpu.memory_space<vmem>>
        %dma_wait3A_271 = arith.constant 0 : i32
        %dma_wait3A_272 = arith.constant 0 : i32
        %dma_wait3A_273 = tpu.memref_slice %arg7[%dma_wait3A_271, %dma_wait3A_272] : memref<256x128xf32, #tpu.memory_space<vmem_shared>> -> memref<256x128xf32, #tpu.memory_space<vmem_shared>>
        %dma_wait3A_274 = tpu.memref_slice %arg14[%dma_wait3A_267] : memref<5x!tpu.dma_semaphore, #tpu.memory_space<semaphore_mem>> -> memref<1x!tpu.dma_semaphore, #tpu.memory_space<semaphore_mem>>
        %dma_wait3A_275 = tpu.memref_squeeze %dma_wait3A_274 : memref<1x!tpu.dma_semaphore, #tpu.memory_space<semaphore_mem>> -> memref<!tpu.dma_semaphore, #tpu.memory_space<semaphore_mem>>
        tpu.wait_indirect_dma semaphore(%dma_wait3A_275 : memref<!tpu.dma_semaphore, #tpu.memory_space<semaphore_mem>>) src(%dma_wait3A_273 : memref<256x128xf32, #tpu.memory_space<vmem_shared>>) dst(%arg9 : memref<128x128xf32, #tpu.memory_space<vmem>>)
        %sub3A = arith.constant 1 : i32
        %sub3A_276 = arith.subi %add3A_152, %sub3A : i32
        %mul3A_277 = arith.constant 128 : i32
        %mul3A_278 = arith.muli %sub3A_276, %mul3A_277 : i32
        %add3A_279 = arith.addi %mul3A_2, %mul3A_278 : i32
        %dma_start3A_280 = arith.constant 1 : i32
        %dma_start3A_281 = arith.constant 0 : i32
        %dma_start3A_282 = tpu.memref_slice %arg5[%add3A_279, %dma_start3A_281] : memref<204800x128xf32, #tpu.memory_space<hbm>> -> memref<128x128xf32, #tpu.memory_space<hbm>>
        %dma_start3A_283 = tpu.memref_slice %arg15[%dma_start3A_280] : memref<5x!tpu.dma_semaphore, #tpu.memory_space<semaphore_mem>> -> memref<1x!tpu.dma_semaphore, #tpu.memory_space<semaphore_mem>>
        %dma_start3A_284 = tpu.memref_squeeze %dma_start3A_283 : memref<1x!tpu.dma_semaphore, #tpu.memory_space<semaphore_mem>> -> memref<!tpu.dma_semaphore, #tpu.memory_space<semaphore_mem>>
        %dma_start3A_285 = arith.constant 0 : i32
        %dma_start3A_286 = tpu.memref_slice %arg5[%add3A_279, %dma_start3A_285] : memref<204800x128xf32, #tpu.memory_space<hbm>> -> memref<128x128xf32, #tpu.memory_space<hbm>>
        tpu.enqueue_dma source(%arg9 : memref<128x128xf32, #tpu.memory_space<vmem>>) target(%dma_start3A_286 : memref<128x128xf32, #tpu.memory_space<hbm>>) target_semaphore(%dma_start3A_284 : memref<!tpu.dma_semaphore, #tpu.memory_space<semaphore_mem>>)
      } else {
      }
      %mul3A_188 = arith.constant 5 : i32
      %mul3A_189 = arith.muli %scan3A_72, %mul3A_188 : i32
      %add3A_190 = arith.constant 3 : i32
      %add3A_191 = arith.addi %mul3A_189, %add3A_190 : i32
      %ge3A_192 = arith.constant 3 : i32
      %ge3A_193 = arith.cmpi sge, %add3A_191, %ge3A_192 : i32
      %convert_element_type3A_194 = arith.extui %ge3A_193 : i1 to i32
      %cond3A_195 = arith.constant 0 : i32
      %cond3A_196 = arith.cmpi ne, %convert_element_type3A_194, %cond3A_195 : i32
      scf.if %cond3A_196 {
        %dma_wait3A_266 = arith.constant 0 : i32
        %dma_wait3A_267 = arith.constant 0 : i32
        %dma_wait3A_268 = arith.constant 0 : i32
        %dma_wait3A_269 = tpu.memref_slice %arg5[%dma_wait3A_267, %dma_wait3A_268] : memref<204800x128xf32, #tpu.memory_space<hbm>> -> memref<128x128xf32, #tpu.memory_space<hbm>>
        %dma_wait3A_270 = tpu.memref_slice %arg15[%dma_wait3A_266] : memref<5x!tpu.dma_semaphore, #tpu.memory_space<semaphore_mem>> -> memref<1x!tpu.dma_semaphore, #tpu.memory_space<semaphore_mem>>
        %dma_wait3A_271 = tpu.memref_squeeze %dma_wait3A_270 : memref<1x!tpu.dma_semaphore, #tpu.memory_space<semaphore_mem>> -> memref<!tpu.dma_semaphore, #tpu.memory_space<semaphore_mem>>
        %dma_wait3A_272 = arith.constant 0 : i32
        %dma_wait3A_273 = arith.constant 0 : i32
        %dma_wait3A_274 = tpu.memref_slice %arg5[%dma_wait3A_272, %dma_wait3A_273] : memref<204800x128xf32, #tpu.memory_space<hbm>> -> memref<128x128xf32, #tpu.memory_space<hbm>>
        tpu.wait_dma2 semaphore(%dma_wait3A_271 : memref<!tpu.dma_semaphore, #tpu.memory_space<semaphore_mem>>) src(%arg8 : memref<128x128xf32, #tpu.memory_space<vmem>>) dst(%dma_wait3A_274 : memref<128x128xf32, #tpu.memory_space<hbm>>)
      } else {
      }
      %add3A_197 = arith.constant 2 : i32
      %add3A_198 = arith.addi %add3A_191, %add3A_197 : i32
      %lt3A_199 = arith.constant 50 : i32
      %lt3A_200 = arith.cmpi slt, %add3A_198, %lt3A_199 : i32
      %convert_element_type3A_201 = arith.extui %lt3A_200 : i1 to i32
      %cond3A_202 = arith.constant 0 : i32
      %cond3A_203 = arith.cmpi ne, %convert_element_type3A_201, %cond3A_202 : i32
      scf.if %cond3A_203 {
        %add3A_266 = arith.constant 2 : i32
        %add3A_267 = arith.addi %add3A_191, %add3A_266 : i32
        %mul3A_268 = arith.constant 128 : i32
        %mul3A_269 = arith.muli %add3A_267, %mul3A_268 : i32
        %add3A_270 = arith.addi %mul3A_2, %mul3A_269 : i32
        %dma_start3A_271 = arith.constant 0 : i32
        %dma_start3A_272 = arith.constant 0 : i32
        %dma_start3A_273 = tpu.memref_slice %arg2[%add3A_270, %dma_start3A_272] : memref<204800x128xf32, #tpu.memory_space<hbm>> -> memref<128x128xf32, #tpu.memory_space<hbm>>
        %dma_start3A_274 = tpu.memref_slice %arg13[%dma_start3A_271] : memref<5x!tpu.dma_semaphore, #tpu.memory_space<semaphore_mem>> -> memref<1x!tpu.dma_semaphore, #tpu.memory_space<semaphore_mem>>
        %dma_start3A_275 = tpu.memref_squeeze %dma_start3A_274 : memref<1x!tpu.dma_semaphore, #tpu.memory_space<semaphore_mem>> -> memref<!tpu.dma_semaphore, #tpu.memory_space<semaphore_mem>>
        %dma_start3A_276 = arith.constant 0 : i32
        %dma_start3A_277 = tpu.memref_slice %arg2[%add3A_270, %dma_start3A_276] : memref<204800x128xf32, #tpu.memory_space<hbm>> -> memref<128x128xf32, #tpu.memory_space<hbm>>
        tpu.enqueue_dma source(%dma_start3A_277 : memref<128x128xf32, #tpu.memory_space<hbm>>) target(%arg8 : memref<128x128xf32, #tpu.memory_space<vmem>>) target_semaphore(%dma_start3A_275 : memref<!tpu.dma_semaphore, #tpu.memory_space<semaphore_mem>>)
      } else {
      }
      %dma_wait3A_204 = arith.constant 3 : i32
      %dma_wait3A_205 = arith.constant 0 : i32
      %dma_wait3A_206 = arith.constant 0 : i32
      %dma_wait3A_207 = tpu.memref_slice %arg2[%dma_wait3A_205, %dma_wait3A_206] : memref<204800x128xf32, #tpu.memory_space<hbm>> -> memref<128x128xf32, #tpu.memory_space<hbm>>
      %dma_wait3A_208 = tpu.memref_slice %arg13[%dma_wait3A_204] : memref<5x!tpu.dma_semaphore, #tpu.memory_space<semaphore_mem>> -> memref<1x!tpu.dma_semaphore, #tpu.memory_space<semaphore_mem>>
      %dma_wait3A_209 = tpu.memref_squeeze %dma_wait3A_208 : memref<1x!tpu.dma_semaphore, #tpu.memory_space<semaphore_mem>> -> memref<!tpu.dma_semaphore, #tpu.memory_space<semaphore_mem>>
      %dma_wait3A_210 = arith.constant 0 : i32
      %dma_wait3A_211 = arith.constant 0 : i32
      %dma_wait3A_212 = tpu.memref_slice %arg2[%dma_wait3A_210, %dma_wait3A_211] : memref<204800x128xf32, #tpu.memory_space<hbm>> -> memref<128x128xf32, #tpu.memory_space<hbm>>
      tpu.wait_dma2 semaphore(%dma_wait3A_209 : memref<!tpu.dma_semaphore, #tpu.memory_space<semaphore_mem>>) src(%dma_wait3A_212 : memref<128x128xf32, #tpu.memory_space<hbm>>) dst(%arg11 : memref<128x128xf32, #tpu.memory_space<vmem>>)
      %dma_start3A_213 = arith.constant 3 : i32
      %dma_start3A_214 = arith.constant 0 : i32
      %dma_start3A_215 = tpu.memref_slice %arg6[%add3A_191, %dma_start3A_214] : memref<50x128xi32, #tpu.memory_space<vmem>> -> memref<1x128xi32, #tpu.memory_space<vmem>>
      %dma_start3A_216 = tpu.memref_squeeze %dma_start3A_215 : memref<1x128xi32, #tpu.memory_space<vmem>> -> memref<128xi32, #tpu.memory_space<vmem>>
      %dma_start3A_217 = arith.constant 0 : i32
      %dma_start3A_218 = arith.constant 0 : i32
      %dma_start3A_219 = tpu.memref_slice %arg7[%dma_start3A_217, %dma_start3A_218] : memref<256x128xf32, #tpu.memory_space<vmem_shared>> -> memref<256x128xf32, #tpu.memory_space<vmem_shared>>
      %dma_start3A_220 = tpu.memref_slice %arg14[%dma_start3A_213] : memref<5x!tpu.dma_semaphore, #tpu.memory_space<semaphore_mem>> -> memref<1x!tpu.dma_semaphore, #tpu.memory_space<semaphore_mem>>
      %dma_start3A_221 = tpu.memref_squeeze %dma_start3A_220 : memref<1x!tpu.dma_semaphore, #tpu.memory_space<semaphore_mem>> -> memref<!tpu.dma_semaphore, #tpu.memory_space<semaphore_mem>>
      tpu.enqueue_indirect_dma source(%dma_start3A_219 : memref<256x128xf32, #tpu.memory_space<vmem_shared>>) target(%arg11 : memref<128x128xf32, #tpu.memory_space<vmem>>) offsets(%dma_start3A_216 : memref<128xi32, #tpu.memory_space<vmem>>) semaphore(%dma_start3A_221 : memref<!tpu.dma_semaphore, #tpu.memory_space<semaphore_mem>>) {add = true}
      %ge3A_222 = arith.constant 1 : i32
      %ge3A_223 = arith.cmpi sge, %add3A_191, %ge3A_222 : i32
      %convert_element_type3A_224 = arith.extui %ge3A_223 : i1 to i32
      %cond3A_225 = arith.constant 0 : i32
      %cond3A_226 = arith.cmpi ne, %convert_element_type3A_224, %cond3A_225 : i32
      scf.if %cond3A_226 {
        %dma_wait3A_266 = arith.constant 0 : i32
        %dma_wait3A_267 = arith.constant 2 : i32
        %dma_wait3A_268 = arith.constant 0 : i32
        %dma_wait3A_269 = tpu.memref_slice %arg6[%dma_wait3A_266, %dma_wait3A_268] : memref<50x128xi32, #tpu.memory_space<vmem>> -> memref<1x128xi32, #tpu.memory_space<vmem>>
        %dma_wait3A_270 = tpu.memref_squeeze %dma_wait3A_269 : memref<1x128xi32, #tpu.memory_space<vmem>> -> memref<128xi32, #tpu.memory_space<vmem>>
        %dma_wait3A_271 = arith.constant 0 : i32
        %dma_wait3A_272 = arith.constant 0 : i32
        %dma_wait3A_273 = tpu.memref_slice %arg7[%dma_wait3A_271, %dma_wait3A_272] : memref<256x128xf32, #tpu.memory_space<vmem_shared>> -> memref<256x128xf32, #tpu.memory_space<vmem_shared>>
        %dma_wait3A_274 = tpu.memref_slice %arg14[%dma_wait3A_267] : memref<5x!tpu.dma_semaphore, #tpu.memory_space<semaphore_mem>> -> memref<1x!tpu.dma_semaphore, #tpu.memory_space<semaphore_mem>>
        %dma_wait3A_275 = tpu.memref_squeeze %dma_wait3A_274 : memref<1x!tpu.dma_semaphore, #tpu.memory_space<semaphore_mem>> -> memref<!tpu.dma_semaphore, #tpu.memory_space<semaphore_mem>>
        tpu.wait_indirect_dma semaphore(%dma_wait3A_275 : memref<!tpu.dma_semaphore, #tpu.memory_space<semaphore_mem>>) src(%dma_wait3A_273 : memref<256x128xf32, #tpu.memory_space<vmem_shared>>) dst(%arg10 : memref<128x128xf32, #tpu.memory_space<vmem>>)
        %sub3A = arith.constant 1 : i32
        %sub3A_276 = arith.subi %add3A_191, %sub3A : i32
        %mul3A_277 = arith.constant 128 : i32
        %mul3A_278 = arith.muli %sub3A_276, %mul3A_277 : i32
        %add3A_279 = arith.addi %mul3A_2, %mul3A_278 : i32
        %dma_start3A_280 = arith.constant 2 : i32
        %dma_start3A_281 = arith.constant 0 : i32
        %dma_start3A_282 = tpu.memref_slice %arg5[%add3A_279, %dma_start3A_281] : memref<204800x128xf32, #tpu.memory_space<hbm>> -> memref<128x128xf32, #tpu.memory_space<hbm>>
        %dma_start3A_283 = tpu.memref_slice %arg15[%dma_start3A_280] : memref<5x!tpu.dma_semaphore, #tpu.memory_space<semaphore_mem>> -> memref<1x!tpu.dma_semaphore, #tpu.memory_space<semaphore_mem>>
        %dma_start3A_284 = tpu.memref_squeeze %dma_start3A_283 : memref<1x!tpu.dma_semaphore, #tpu.memory_space<semaphore_mem>> -> memref<!tpu.dma_semaphore, #tpu.memory_space<semaphore_mem>>
        %dma_start3A_285 = arith.constant 0 : i32
        %dma_start3A_286 = tpu.memref_slice %arg5[%add3A_279, %dma_start3A_285] : memref<204800x128xf32, #tpu.memory_space<hbm>> -> memref<128x128xf32, #tpu.memory_space<hbm>>
        tpu.enqueue_dma source(%arg10 : memref<128x128xf32, #tpu.memory_space<vmem>>) target(%dma_start3A_286 : memref<128x128xf32, #tpu.memory_space<hbm>>) target_semaphore(%dma_start3A_284 : memref<!tpu.dma_semaphore, #tpu.memory_space<semaphore_mem>>)
      } else {
      }
      %mul3A_227 = arith.constant 5 : i32
      %mul3A_228 = arith.muli %scan3A_72, %mul3A_227 : i32
      %add3A_229 = arith.constant 4 : i32
      %add3A_230 = arith.addi %mul3A_228, %add3A_229 : i32
      %ge3A_231 = arith.constant 3 : i32
      %ge3A_232 = arith.cmpi sge, %add3A_230, %ge3A_231 : i32
      %convert_element_type3A_233 = arith.extui %ge3A_232 : i1 to i32
      %cond3A_234 = arith.constant 0 : i32
      %cond3A_235 = arith.cmpi ne, %convert_element_type3A_233, %cond3A_234 : i32
      scf.if %cond3A_235 {
        %dma_wait3A_266 = arith.constant 1 : i32
        %dma_wait3A_267 = arith.constant 0 : i32
        %dma_wait3A_268 = arith.constant 0 : i32
        %dma_wait3A_269 = tpu.memref_slice %arg5[%dma_wait3A_267, %dma_wait3A_268] : memref<204800x128xf32, #tpu.memory_space<hbm>> -> memref<128x128xf32, #tpu.memory_space<hbm>>
        %dma_wait3A_270 = tpu.memref_slice %arg15[%dma_wait3A_266] : memref<5x!tpu.dma_semaphore, #tpu.memory_space<semaphore_mem>> -> memref<1x!tpu.dma_semaphore, #tpu.memory_space<semaphore_mem>>
        %dma_wait3A_271 = tpu.memref_squeeze %dma_wait3A_270 : memref<1x!tpu.dma_semaphore, #tpu.memory_space<semaphore_mem>> -> memref<!tpu.dma_semaphore, #tpu.memory_space<semaphore_mem>>
        %dma_wait3A_272 = arith.constant 0 : i32
        %dma_wait3A_273 = arith.constant 0 : i32
        %dma_wait3A_274 = tpu.memref_slice %arg5[%dma_wait3A_272, %dma_wait3A_273] : memref<204800x128xf32, #tpu.memory_space<hbm>> -> memref<128x128xf32, #tpu.memory_space<hbm>>
        tpu.wait_dma2 semaphore(%dma_wait3A_271 : memref<!tpu.dma_semaphore, #tpu.memory_space<semaphore_mem>>) src(%arg9 : memref<128x128xf32, #tpu.memory_space<vmem>>) dst(%dma_wait3A_274 : memref<128x128xf32, #tpu.memory_space<hbm>>)
      } else {
      }
      %add3A_236 = arith.constant 2 : i32
      %add3A_237 = arith.addi %add3A_230, %add3A_236 : i32
      %lt3A_238 = arith.constant 50 : i32
      %lt3A_239 = arith.cmpi slt, %add3A_237, %lt3A_238 : i32
      %convert_element_type3A_240 = arith.extui %lt3A_239 : i1 to i32
      %cond3A_241 = arith.constant 0 : i32
      %cond3A_242 = arith.cmpi ne, %convert_element_type3A_240, %cond3A_241 : i32
      scf.if %cond3A_242 {
        %add3A_266 = arith.constant 2 : i32
        %add3A_267 = arith.addi %add3A_230, %add3A_266 : i32
        %mul3A_268 = arith.constant 128 : i32
        %mul3A_269 = arith.muli %add3A_267, %mul3A_268 : i32
        %add3A_270 = arith.addi %mul3A_2, %mul3A_269 : i32
        %dma_start3A_271 = arith.constant 1 : i32
        %dma_start3A_272 = arith.constant 0 : i32
        %dma_start3A_273 = tpu.memref_slice %arg2[%add3A_270, %dma_start3A_272] : memref<204800x128xf32, #tpu.memory_space<hbm>> -> memref<128x128xf32, #tpu.memory_space<hbm>>
        %dma_start3A_274 = tpu.memref_slice %arg13[%dma_start3A_271] : memref<5x!tpu.dma_semaphore, #tpu.memory_space<semaphore_mem>> -> memref<1x!tpu.dma_semaphore, #tpu.memory_space<semaphore_mem>>
        %dma_start3A_275 = tpu.memref_squeeze %dma_start3A_274 : memref<1x!tpu.dma_semaphore, #tpu.memory_space<semaphore_mem>> -> memref<!tpu.dma_semaphore, #tpu.memory_space<semaphore_mem>>
        %dma_start3A_276 = arith.constant 0 : i32
        %dma_start3A_277 = tpu.memref_slice %arg2[%add3A_270, %dma_start3A_276] : memref<204800x128xf32, #tpu.memory_space<hbm>> -> memref<128x128xf32, #tpu.memory_space<hbm>>
        tpu.enqueue_dma source(%dma_start3A_277 : memref<128x128xf32, #tpu.memory_space<hbm>>) target(%arg9 : memref<128x128xf32, #tpu.memory_space<vmem>>) target_semaphore(%dma_start3A_275 : memref<!tpu.dma_semaphore, #tpu.memory_space<semaphore_mem>>)
      } else {
      }
      %dma_wait3A_243 = arith.constant 4 : i32
      %dma_wait3A_244 = arith.constant 0 : i32
      %dma_wait3A_245 = arith.constant 0 : i32
      %dma_wait3A_246 = tpu.memref_slice %arg2[%dma_wait3A_244, %dma_wait3A_245] : memref<204800x128xf32, #tpu.memory_space<hbm>> -> memref<128x128xf32, #tpu.memory_space<hbm>>
      %dma_wait3A_247 = tpu.memref_slice %arg13[%dma_wait3A_243] : memref<5x!tpu.dma_semaphore, #tpu.memory_space<semaphore_mem>> -> memref<1x!tpu.dma_semaphore, #tpu.memory_space<semaphore_mem>>
      %dma_wait3A_248 = tpu.memref_squeeze %dma_wait3A_247 : memref<1x!tpu.dma_semaphore, #tpu.memory_space<semaphore_mem>> -> memref<!tpu.dma_semaphore, #tpu.memory_space<semaphore_mem>>
      %dma_wait3A_249 = arith.constant 0 : i32
      %dma_wait3A_250 = arith.constant 0 : i32
      %dma_wait3A_251 = tpu.memref_slice %arg2[%dma_wait3A_249, %dma_wait3A_250] : memref<204800x128xf32, #tpu.memory_space<hbm>> -> memref<128x128xf32, #tpu.memory_space<hbm>>
      tpu.wait_dma2 semaphore(%dma_wait3A_248 : memref<!tpu.dma_semaphore, #tpu.memory_space<semaphore_mem>>) src(%dma_wait3A_251 : memref<128x128xf32, #tpu.memory_space<hbm>>) dst(%arg12 : memref<128x128xf32, #tpu.memory_space<vmem>>)
      %dma_start3A_252 = arith.constant 4 : i32
      %dma_start3A_253 = arith.constant 0 : i32
      %dma_start3A_254 = tpu.memref_slice %arg6[%add3A_230, %dma_start3A_253] : memref<50x128xi32, #tpu.memory_space<vmem>> -> memref<1x128xi32, #tpu.memory_space<vmem>>
      %dma_start3A_255 = tpu.memref_squeeze %dma_start3A_254 : memref<1x128xi32, #tpu.memory_space<vmem>> -> memref<128xi32, #tpu.memory_space<vmem>>
      %dma_start3A_256 = arith.constant 0 : i32
      %dma_start3A_257 = arith.constant 0 : i32
      %dma_start3A_258 = tpu.memref_slice %arg7[%dma_start3A_256, %dma_start3A_257] : memref<256x128xf32, #tpu.memory_space<vmem_shared>> -> memref<256x128xf32, #tpu.memory_space<vmem_shared>>
      %dma_start3A_259 = tpu.memref_slice %arg14[%dma_start3A_252] : memref<5x!tpu.dma_semaphore, #tpu.memory_space<semaphore_mem>> -> memref<1x!tpu.dma_semaphore, #tpu.memory_space<semaphore_mem>>
      %dma_start3A_260 = tpu.memref_squeeze %dma_start3A_259 : memref<1x!tpu.dma_semaphore, #tpu.memory_space<semaphore_mem>> -> memref<!tpu.dma_semaphore, #tpu.memory_space<semaphore_mem>>
      tpu.enqueue_indirect_dma source(%dma_start3A_258 : memref<256x128xf32, #tpu.memory_space<vmem_shared>>) target(%arg12 : memref<128x128xf32, #tpu.memory_space<vmem>>) offsets(%dma_start3A_255 : memref<128xi32, #tpu.memory_space<vmem>>) semaphore(%dma_start3A_260 : memref<!tpu.dma_semaphore, #tpu.memory_space<semaphore_mem>>) {add = true}
      %ge3A_261 = arith.constant 1 : i32
      %ge3A_262 = arith.cmpi sge, %add3A_230, %ge3A_261 : i32
      %convert_element_type3A_263 = arith.extui %ge3A_262 : i1 to i32
      %cond3A_264 = arith.constant 0 : i32
      %cond3A_265 = arith.cmpi ne, %convert_element_type3A_263, %cond3A_264 : i32
      scf.if %cond3A_265 {
        %dma_wait3A_266 = arith.constant 0 : i32
        %dma_wait3A_267 = arith.constant 3 : i32
        %dma_wait3A_268 = arith.constant 0 : i32
        %dma_wait3A_269 = tpu.memref_slice %arg6[%dma_wait3A_266, %dma_wait3A_268] : memref<50x128xi32, #tpu.memory_space<vmem>> -> memref<1x128xi32, #tpu.memory_space<vmem>>
        %dma_wait3A_270 = tpu.memref_squeeze %dma_wait3A_269 : memref<1x128xi32, #tpu.memory_space<vmem>> -> memref<128xi32, #tpu.memory_space<vmem>>
        %dma_wait3A_271 = arith.constant 0 : i32
        %dma_wait3A_272 = arith.constant 0 : i32
        %dma_wait3A_273 = tpu.memref_slice %arg7[%dma_wait3A_271, %dma_wait3A_272] : memref<256x128xf32, #tpu.memory_space<vmem_shared>> -> memref<256x128xf32, #tpu.memory_space<vmem_shared>>
        %dma_wait3A_274 = tpu.memref_slice %arg14[%dma_wait3A_267] : memref<5x!tpu.dma_semaphore, #tpu.memory_space<semaphore_mem>> -> memref<1x!tpu.dma_semaphore, #tpu.memory_space<semaphore_mem>>
        %dma_wait3A_275 = tpu.memref_squeeze %dma_wait3A_274 : memref<1x!tpu.dma_semaphore, #tpu.memory_space<semaphore_mem>> -> memref<!tpu.dma_semaphore, #tpu.memory_space<semaphore_mem>>
        tpu.wait_indirect_dma semaphore(%dma_wait3A_275 : memref<!tpu.dma_semaphore, #tpu.memory_space<semaphore_mem>>) src(%dma_wait3A_273 : memref<256x128xf32, #tpu.memory_space<vmem_shared>>) dst(%arg11 : memref<128x128xf32, #tpu.memory_space<vmem>>)
        %sub3A = arith.constant 1 : i32
        %sub3A_276 = arith.subi %add3A_230, %sub3A : i32
        %mul3A_277 = arith.constant 128 : i32
        %mul3A_278 = arith.muli %sub3A_276, %mul3A_277 : i32
        %add3A_279 = arith.addi %mul3A_2, %mul3A_278 : i32
        %dma_start3A_280 = arith.constant 3 : i32
        %dma_start3A_281 = arith.constant 0 : i32
        %dma_start3A_282 = tpu.memref_slice %arg5[%add3A_279, %dma_start3A_281] : memref<204800x128xf32, #tpu.memory_space<hbm>> -> memref<128x128xf32, #tpu.memory_space<hbm>>
        %dma_start3A_283 = tpu.memref_slice %arg15[%dma_start3A_280] : memref<5x!tpu.dma_semaphore, #tpu.memory_space<semaphore_mem>> -> memref<1x!tpu.dma_semaphore, #tpu.memory_space<semaphore_mem>>
        %dma_start3A_284 = tpu.memref_squeeze %dma_start3A_283 : memref<1x!tpu.dma_semaphore, #tpu.memory_space<semaphore_mem>> -> memref<!tpu.dma_semaphore, #tpu.memory_space<semaphore_mem>>
        %dma_start3A_285 = arith.constant 0 : i32
        %dma_start3A_286 = tpu.memref_slice %arg5[%add3A_279, %dma_start3A_285] : memref<204800x128xf32, #tpu.memory_space<hbm>> -> memref<128x128xf32, #tpu.memory_space<hbm>>
        tpu.enqueue_dma source(%arg11 : memref<128x128xf32, #tpu.memory_space<vmem>>) target(%dma_start3A_286 : memref<128x128xf32, #tpu.memory_space<hbm>>) target_semaphore(%dma_start3A_284 : memref<!tpu.dma_semaphore, #tpu.memory_space<semaphore_mem>>)
      } else {
      }
    }
    %scan3A_26 = arith.constant 10 : i32
    %dma_wait3A = arith.constant 0 : i32
    %dma_wait3A_27 = arith.constant 4 : i32
    %dma_wait3A_28 = arith.constant 0 : i32
    %dma_wait3A_29 = tpu.memref_slice %arg6[%dma_wait3A, %dma_wait3A_28] : memref<50x128xi32, #tpu.memory_space<vmem>> -> memref<1x128xi32, #tpu.memory_space<vmem>>
    %dma_wait3A_30 = tpu.memref_squeeze %dma_wait3A_29 : memref<1x128xi32, #tpu.memory_space<vmem>> -> memref<128xi32, #tpu.memory_space<vmem>>
    %dma_wait3A_31 = arith.constant 0 : i32
    %dma_wait3A_32 = arith.constant 0 : i32
    %dma_wait3A_33 = tpu.memref_slice %arg7[%dma_wait3A_31, %dma_wait3A_32] : memref<256x128xf32, #tpu.memory_space<vmem_shared>> -> memref<256x128xf32, #tpu.memory_space<vmem_shared>>
    %dma_wait3A_34 = tpu.memref_slice %arg14[%dma_wait3A_27] : memref<5x!tpu.dma_semaphore, #tpu.memory_space<semaphore_mem>> -> memref<1x!tpu.dma_semaphore, #tpu.memory_space<semaphore_mem>>
    %dma_wait3A_35 = tpu.memref_squeeze %dma_wait3A_34 : memref<1x!tpu.dma_semaphore, #tpu.memory_space<semaphore_mem>> -> memref<!tpu.dma_semaphore, #tpu.memory_space<semaphore_mem>>
    tpu.wait_indirect_dma semaphore(%dma_wait3A_35 : memref<!tpu.dma_semaphore, #tpu.memory_space<semaphore_mem>>) src(%dma_wait3A_33 : memref<256x128xf32, #tpu.memory_space<vmem_shared>>) dst(%arg12 : memref<128x128xf32, #tpu.memory_space<vmem>>)
    %add3A_36 = arith.constant 6272 : i32
    %add3A_37 = arith.addi %mul3A_2, %add3A_36 : i32
    %dma_start3A_38 = arith.constant 4 : i32
    %dma_start3A_39 = arith.constant 0 : i32
    %dma_start3A_40 = tpu.memref_slice %arg5[%add3A_37, %dma_start3A_39] : memref<204800x128xf32, #tpu.memory_space<hbm>> -> memref<128x128xf32, #tpu.memory_space<hbm>>
    %dma_start3A_41 = tpu.memref_slice %arg15[%dma_start3A_38] : memref<5x!tpu.dma_semaphore, #tpu.memory_space<semaphore_mem>> -> memref<1x!tpu.dma_semaphore, #tpu.memory_space<semaphore_mem>>
    %dma_start3A_42 = tpu.memref_squeeze %dma_start3A_41 : memref<1x!tpu.dma_semaphore, #tpu.memory_space<semaphore_mem>> -> memref<!tpu.dma_semaphore, #tpu.memory_space<semaphore_mem>>
    %dma_start3A_43 = arith.constant 0 : i32
    %dma_start3A_44 = tpu.memref_slice %arg5[%add3A_37, %dma_start3A_43] : memref<204800x128xf32, #tpu.memory_space<hbm>> -> memref<128x128xf32, #tpu.memory_space<hbm>>
    tpu.enqueue_dma source(%arg12 : memref<128x128xf32, #tpu.memory_space<vmem>>) target(%dma_start3A_44 : memref<128x128xf32, #tpu.memory_space<hbm>>) target_semaphore(%dma_start3A_42 : memref<!tpu.dma_semaphore, #tpu.memory_space<semaphore_mem>>)
    %dma_wait3A_45 = arith.constant 4 : i32
    %dma_wait3A_46 = arith.constant 0 : i32
    %dma_wait3A_47 = arith.constant 0 : i32
    %dma_wait3A_48 = tpu.memref_slice %arg5[%dma_wait3A_46, %dma_wait3A_47] : memref<204800x128xf32, #tpu.memory_space<hbm>> -> memref<128x128xf32, #tpu.memory_space<hbm>>
    %dma_wait3A_49 = tpu.memref_slice %arg15[%dma_wait3A_45] : memref<5x!tpu.dma_semaphore, #tpu.memory_space<semaphore_mem>> -> memref<1x!tpu.dma_semaphore, #tpu.memory_space<semaphore_mem>>
    %dma_wait3A_50 = tpu.memref_squeeze %dma_wait3A_49 : memref<1x!tpu.dma_semaphore, #tpu.memory_space<semaphore_mem>> -> memref<!tpu.dma_semaphore, #tpu.memory_space<semaphore_mem>>
    %dma_wait3A_51 = arith.constant 0 : i32
    %dma_wait3A_52 = arith.constant 0 : i32
    %dma_wait3A_53 = tpu.memref_slice %arg5[%dma_wait3A_51, %dma_wait3A_52] : memref<204800x128xf32, #tpu.memory_space<hbm>> -> memref<128x128xf32, #tpu.memory_space<hbm>>
    tpu.wait_dma2 semaphore(%dma_wait3A_50 : memref<!tpu.dma_semaphore, #tpu.memory_space<semaphore_mem>>) src(%arg12 : memref<128x128xf32, #tpu.memory_space<vmem>>) dst(%dma_wait3A_53 : memref<128x128xf32, #tpu.memory_space<hbm>>)
    %dma_wait3A_54 = arith.constant 3 : i32
    %dma_wait3A_55 = arith.constant 0 : i32
    %dma_wait3A_56 = arith.constant 0 : i32
    %dma_wait3A_57 = tpu.memref_slice %arg5[%dma_wait3A_55, %dma_wait3A_56] : memref<204800x128xf32, #tpu.memory_space<hbm>> -> memref<128x128xf32, #tpu.memory_space<hbm>>
    %dma_wait3A_58 = tpu.memref_slice %arg15[%dma_wait3A_54] : memref<5x!tpu.dma_semaphore, #tpu.memory_space<semaphore_mem>> -> memref<1x!tpu.dma_semaphore, #tpu.memory_space<semaphore_mem>>
    %dma_wait3A_59 = tpu.memref_squeeze %dma_wait3A_58 : memref<1x!tpu.dma_semaphore, #tpu.memory_space<semaphore_mem>> -> memref<!tpu.dma_semaphore, #tpu.memory_space<semaphore_mem>>
    %dma_wait3A_60 = arith.constant 0 : i32
    %dma_wait3A_61 = arith.constant 0 : i32
    %dma_wait3A_62 = tpu.memref_slice %arg5[%dma_wait3A_60, %dma_wait3A_61] : memref<204800x128xf32, #tpu.memory_space<hbm>> -> memref<128x128xf32, #tpu.memory_space<hbm>>
    tpu.wait_dma2 semaphore(%dma_wait3A_59 : memref<!tpu.dma_semaphore, #tpu.memory_space<semaphore_mem>>) src(%arg11 : memref<128x128xf32, #tpu.memory_space<vmem>>) dst(%dma_wait3A_62 : memref<128x128xf32, #tpu.memory_space<hbm>>)
    %dma_wait3A_63 = arith.constant 2 : i32
    %dma_wait3A_64 = arith.constant 0 : i32
    %dma_wait3A_65 = arith.constant 0 : i32
    %dma_wait3A_66 = tpu.memref_slice %arg5[%dma_wait3A_64, %dma_wait3A_65] : memref<204800x128xf32, #tpu.memory_space<hbm>> -> memref<128x128xf32, #tpu.memory_space<hbm>>
    %dma_wait3A_67 = tpu.memref_slice %arg15[%dma_wait3A_63] : memref<5x!tpu.dma_semaphore, #tpu.memory_space<semaphore_mem>> -> memref<1x!tpu.dma_semaphore, #tpu.memory_space<semaphore_mem>>
    %dma_wait3A_68 = tpu.memref_squeeze %dma_wait3A_67 : memref<1x!tpu.dma_semaphore, #tpu.memory_space<semaphore_mem>> -> memref<!tpu.dma_semaphore, #tpu.memory_space<semaphore_mem>>
    %dma_wait3A_69 = arith.constant 0 : i32
    %dma_wait3A_70 = arith.constant 0 : i32
    %dma_wait3A_71 = tpu.memref_slice %arg5[%dma_wait3A_69, %dma_wait3A_70] : memref<204800x128xf32, #tpu.memory_space<hbm>> -> memref<128x128xf32, #tpu.memory_space<hbm>>
    tpu.wait_dma2 semaphore(%dma_wait3A_68 : memref<!tpu.dma_semaphore, #tpu.memory_space<semaphore_mem>>) src(%arg10 : memref<128x128xf32, #tpu.memory_space<vmem>>) dst(%dma_wait3A_71 : memref<128x128xf32, #tpu.memory_space<hbm>>)
    return
  }
}

</mosaic_0001>

<sc_bundles>
// kernel: _run.3.cloned.1.call-start
scs
__scs_entry_jumppad:
0x0: {  	(pc) =	sbr.rel $0x88, $3  }
0x1: {  	(tag) =	ssettag $0x0;
	lr =	simm.s32 $0x1  }
0x2: {  	[smem:$0x3F9E] =	sst lr;
	_ =	strace $0xD0000000  }
0x3: {  	_ = 	snop  }
0x4: {  	_ = 	snop  }
0x5: {  	_ = 	snop  }
0x6: {  	_ = 	snop  }
0x7: {  	_ = 	snop  }
__scs_overlays_trampoline_lowered:
0x8: {  	[smem:$0x3FAD] =	sst s0  }
0x9: {  	[smem:$0x3FAE] =	sst s1  }
0xa: {  	[smem:$0x3FAF] =	sst s2  }
0xb: {  	[smem:$0x3FB0] =	sst s3  }
0xc: {  	[smem:$0x3FB1] =	sst s4  }
0xd: {  	[smem:$0x3FB2] =	sst s5  }
0xe: {  	[smem:$0x3FB3] =	sst s6  }
0xf: {  	[smem:$0x3FB4] =	sst s7  }
0x10: {  	[smem:$0x3FB5] =	sst s8  }
0x11: {  	[smem:$0x3FB6] =	sst s9;
	s0 =	simm.s32 @!p0 $0x0  }
0x12: {  	s1 =	sld [smem:$0x3F9C];
	s0 =	simm.s32 @p0 $0x1  }
0x13: {  	[smem:$0x3FB7] =	sst s0;
	s0 =	simm.s32 @!p1 $0x0  }
0x14: {  	s2 =	sld [smem:$0x3F9B];
	s0 =	simm.s32 @p1 $0x1  }
0x15: {  	[smem:$0x3FB8] =	sst s0;
	s0 =	simm.s32 @!p2 $0x0  }
0x16: {  	s3 =	sld [smem:$0x3FDB];
	s0 =	simm.s32 @p2 $0x1  }
0x17: {  	s4 =	simm.s32 $0x1BF5;
	[smem:$0x3FBA] =	sst s0  }
0x18: {  	s0 =	sld [smem:$0x3F9D];
	_ =	swait.ge [sflag:s4], $0x0  }
0x19: {  	s7 =	sld [smem:$0x3F9E]  }
0x1a: {  	s8 =	sadd.s32 $0xFFFFE003, lr  }
0x1b: {  	s9 =	sadd.s32 $0xFFFFFEF7, lr;
	s5 =	simm.s32 $0xFFFFFFFF;
	p2 =	slt.u32 s8, $0xFFFFF086  }
0x1c: {  	p1 =	slt.u32 s9, $0xF7A;
	s5 =	simm.s32 @!p2 $0x0  }
0x1d: {  	s5 =	simm.s32 @p1 $0x1;
	p0 =	seq.s32 s7, s2  }
0x1e: {  	s7 =	smul.u32 @!p0 $0xF7A, s2;
	p2 =	seq.s32 @!p0 s5, $0x0  }
0x1f: {  	s9 =	smul.u32 $0xF7A, s1;
	s8 =	simm.s32 @!p0 $0x1BF5;
	p2 =	por !p2, p0  }
0x20: {  	[sflag:s8] =	ssyncset.s32 @!p0 $0xFFFFF086;
	s6 =	sadd.s32 @!p0 s3, s7;
	s7 =	simm.s32 @!p0 $0x108  }
0x21: {  	s3 =	sadd.s32 s3, s9;
	s6 =	sadd.s32 @!p0 $0x88, s6;
	s7 =	simm.s32 @p2 $0x1082  }
0x22: {  	[simem:s7], [sflag:s8] =	dma.local @!p0 [hbm:s6], $0xF7A  }
0x23: {  	s9 =	sor.u32 $0xD0000000, s2;
	s6 =	simm.s32 $0x108;
	_ =	swait.ge @!p0 [sflag:s8], $0x0  }
0x24: {  	s3 =	sadd.s32 $0x88, s3;
	s6 =	simm.s32 @!p1 $0x1082;
	[sflag:s4] =	ssyncset.s32 $0xFFFFF086  }
0x25: {  	[simem:s6], [sflag:s4] =	dma.local [hbm:s3], $0xF7A  }
0x26: {  	[smem:$0x3F9E] =	sst s1;
	(tag) =	ssettag s2;
	_ =	strace s9  }
0x27: {  	s1 =	sld [smem:$0x3FAE]  }
0x28: {  	s2 =	sld [smem:$0x3FAF]  }
0x29: {  	s4 =	sld [smem:$0x3FB1]  }
0x2a: {  	p0 =	seq.s32 s5, $0x0;
	s5 =	sld [smem:$0x3FB2]  }
0x2b: {  	s6 =	sld [smem:$0x3FB3]  }
0x2c: {  	s7 =	sld [smem:$0x3FB4]  }
0x2d: {  	s3 =	simm.s32 $0x108;
	s8 =	sld [smem:$0x3FB5]  }
0x2e: {  	s3 =	simm.s32 @!p0 $0x1082;
	s9 =	sld [smem:$0x3FB6]  }
0x2f: {  	lr =	sadd.s32 s0, s3;
	s0 =	sld [smem:$0x3FAD]  }
0x30: {  	s3 =	sld [smem:$0x3FB0]  }
0x31: {  	[smem:$0x3FB9] =	sst s10  }
0x32: {  	s10 =	sld [smem:$0x3FB7];
	_ =	sdelay $0x3  }
0x33: {  	p0 =	seq.s32 s10, $0x1;
	s10 =	sld [smem:$0x3FB9];
	_ =	sdelay $0x3  }
0x34: {  	[smem:$0x3FB9] =	sst s10  }
0x35: {  	s10 =	sld [smem:$0x3FB8];
	_ =	sdelay $0x3  }
0x36: {  	p1 =	seq.s32 s10, $0x1;
	s10 =	sld [smem:$0x3FB9];
	_ =	sdelay $0x3  }
0x37: {  	[smem:$0x3FB9] =	sst s10  }
0x38: {  	s10 =	sld [smem:$0x3FBA]  }
0x39: {  	_ = 	snop;
	(pc) =	sbr.ind lr, $3  }
0x3a: {  	_ = 	snop  }
0x3b: {  	_ = 	snop  }
0x3c: {  	p2 =	seq.s32 s10, $0x1;
	s10 =	sld [smem:$0x3FB9]  }
0x3d: {  	_ =	shalt  }
0x3e: {  	_ =	shalt  }
0x3f: {  	_ =	shalt  }
0x40: {  	_ =	shalt  }
0x41: {  	_ =	shalt  }
0x42: {  	_ =	shalt  }
0x43: {  	_ =	shalt  }
0x44: {  	_ =	shalt  }
0x45: {  	_ =	shalt  }
0x46: {  	_ =	shalt  }
0x47: {  	_ =	shalt  }
0x48: {  	_ =	shalt  }
0x49: {  	_ =	shalt  }
0x4a: {  	_ =	shalt  }
0x4b: {  	_ =	shalt  }
0x4c: {  	_ =	shalt  }
0x4d: {  	_ =	shalt  }
0x4e: {  	_ =	shalt  }
0x4f: {  	_ =	shalt  }
0x50: {  	_ =	shalt  }
0x51: {  	_ =	shalt  }
0x52: {  	_ =	shalt  }
0x53: {  	_ =	shalt  }
0x54: {  	_ =	shalt  }
0x55: {  	_ =	shalt  }
0x56: {  	_ =	shalt  }
0x57: {  	_ =	shalt  }
0x58: {  	_ =	shalt  }
0x59: {  	_ =	shalt  }
0x5a: {  	_ =	shalt  }
0x5b: {  	_ =	shalt  }
0x5c: {  	_ =	shalt  }
0x5d: {  	_ =	shalt  }
0x5e: {  	_ =	shalt  }
0x5f: {  	_ =	shalt  }
0x60: {  	_ =	shalt  }
0x61: {  	_ =	shalt  }
0x62: {  	_ =	shalt  }
0x63: {  	_ =	shalt  }
0x64: {  	_ =	shalt  }
0x65: {  	_ =	shalt  }
0x66: {  	_ =	shalt  }
0x67: {  	_ =	shalt  }
0x68: {  	_ =	shalt  }
0x69: {  	_ =	shalt  }
0x6a: {  	_ =	shalt  }
0x6b: {  	_ =	shalt  }
0x6c: {  	_ =	shalt  }
0x6d: {  	_ =	shalt  }
0x6e: {  	_ =	shalt  }
0x6f: {  	_ =	shalt  }
0x70: {  	_ =	shalt  }
0x71: {  	_ =	shalt  }
0x72: {  	_ =	shalt  }
0x73: {  	_ =	shalt  }
0x74: {  	_ =	shalt  }
0x75: {  	_ =	shalt  }
0x76: {  	_ =	shalt  }
0x77: {  	_ =	shalt  }
0x78: {  	_ =	shalt  }
0x79: {  	_ =	shalt  }
0x7a: {  	_ =	shalt  }
0x7b: {  	_ =	shalt  }
0x7c: {  	_ =	shalt  }
0x7d: {  	_ =	shalt  }
0x7e: {  	_ =	shalt  }
0x7f: {  	_ =	shalt  }
0x80: {  	_ =	shalt  }
0x81: {  	_ =	shalt  }
0x82: {  	_ =	shalt  }
0x83: {  	_ =	shalt  }
0x84: {  	_ =	shalt  }
0x85: {  	_ =	shalt  }
0x86: {  	_ =	shalt  }
0x87: {  	_ =	shalt  }
.Lfunc_end0:
.L_simem_size_0:
called_computation_lowered:
.L_overlay_start_0:
0x88: {  	s2 =	sld [smem:$0x3FD9]  }
0x89: {  	s3 =	sld [smem:$0x3FFE];
	_ =	sdelay $0x1  }
0x8a: {  	s1 =	srdreg.scid  }
0x8b: {  	s0 =	sand.u32 $0x1, s1  }
0x8c: {  	s17 =	sshll.u32 s0, $0xA;
	s2 =	sadd.s32 s3, s2  }
0x8d: {  	s2 =	sadd.s32 s2, s17  }
0x8e: {  	[smem:$0x3FC5] =	sst s2  }
0x8f: {  	_ = 	snop  }
0x90: {  	s2 =	sld [smem:$0x3FC9]  }
0x91: {  	s18 =	sld [smem:$0x3FC7]  }
0x92: {  	s4 =	sld [smem:$0x3FD0];
	(tm) =	ssettm $0x1  }
0x93: {  	s5 =	sld [smem:$0x3FFB];
	_ =	sdelay $0x3  }
0x94: {  	_ =	strace s5  }
0x95: {  	s5 =	sld [smem:$0x3FFC];
	_ =	sdelay $0x3  }
0x96: {  	_ =	strace s5  }
0x97: {  	s5 =	sld [smem:$0x3FFD];
	_ =	sdelay $0x3  }
0x98: {  	_ =	strace s5  }
0x99: {  	_ =	strace $0x8FFFFFFF  }
0x9a: {  	s19 =	sld [smem:$0x3FDB];
	_ =	sdelay $0x1  }
0x9b: {  	s6 =	simm.s32 $_scs_section_size  }
0x9c: {  	s7 =	simm.s32 $_size__tile_overlayer_lowered;
	s8 =	simm.s32 $_tile_overlayer_lowered  }
0x9d: {  	s22 =	simm.s32 $0x1BFF;
	s21 =	sshll.u32 s8, $0x1;
	s5 =	sadd.s32 s6, s19  }
0x9e: {  	s9 =	simm.s32 $0x0;
	s20 =	sshll.u32 s7, $0x1;
	s7 =	sadd.s32 s21, s5  }
0x9f: {  	[timem:s9], [sflag:s22] =	dma.local [hbm:s7], s20  }
0xa0: {  	_ =	swait.ge [sflag:s22], s20  }
0xa1: {  	s6 =	ssub.s32 $0x0, s20;
	[sflag:s22] =	ssyncset.done $0x0  }
0xa2: {  	[sflag:s22] =	ssyncadd.s32 s6;
	_ =	sdelay $0x1  }
0xa3: {  	s23 =	simm.s32 $0x1B8B  }
0xa4: {  	_ =	swait.ge [sflag:s23], $0x1  }
0xa5: {  	[sflag:s23] =	ssyncset.done $0x0  }
0xa6: {  	s25 =	simm.s32 $0x1B8E;
	s24 =	sld [smem:$0x3FFE];
	[sflag:s23] =	ssyncadd.s32 $0xFFFFFFFF  }
0xa7: {  	s26 =	simm.s32 $execute0_lowered;
	[smem:$0x3FD2] =	sst s25  }
0xa8: {  	s7 =	sshll.u32 s26, $0x1;
	_ =	strace $0x80000046;
	[dreg:$0x1] =	wrdreg $0xFFFFFFFF  }
0xa9: {  	s28 =	simm.s32 $_size_execute0_lowered;
	s5 =	sadd.s32 s5, s7;
	[dreg:$0x0] =	wrdreg $0x0  }
0xaa: {  	s7 =	sshll.u32 s28, $0x1;
	[dreg:$0x2] =	wrdreg s5  }
0xab: {  	[dreg:$0x3] =	wrdreg s7  }
0xac: {  	[dreg:$0x4] =	wrdreg $0xC0  }
0xad: {  	_ =	task [dreg:s9], $0x5FFFF  }
0xae: {  	[dreg:$0x1] =	wrdreg $0xFFFFFFFF  }
0xaf: {  	[dreg:$0x0] =	wrdreg $0x60  }
0xb0: {  	[dreg:$0x2] =	wrdreg s2  }
0xb1: {  	[dreg:$0x3] =	wrdreg s24  }
0xb2: {  	[dreg:$0x4] =	wrdreg s18  }
0xb3: {  	[dreg:$0x5] =	wrdreg s4  }
0xb4: {  	[dreg:$0x6] =	wrdreg $0x1C000  }
0xb5: {  	[dreg:$0x7] =	wrdreg $0x9  }
0xb6: {  	_ =	task.clear_ibuf [dreg:s9], $0x8FFFF;
	_ =	strace $0x90000046  }
0xb7: {  	s29 =	simm.s32 $0x9;
	_ =	strace $0x80000048  }
0xb8: {  	_ =	swait.ge [sflag:s29], $0x1  }
0xb9: {  	[sflag:s29] =	ssyncadd.s32 $0xFFFFFFFF  }
0xba: {  	_ =	strace $0x90000048  }
0xbb: {  	_ =	sfence  }
0xbc: {  	s30 =	sld [smem:$0x0];
	_ =	sdelay $0x2  }
0xbd: {  	s31 =	sshll.u32 s1, $0xD;
	s1 =	sshrl.u32 s1, $0x2  }
0xbe: {  	s3 =	sand.u32 $0x4000, s31;
	s1 =	sadd.s32 s1, s30  }
0xbf: {  	s0 =	sor.u32 s3, s0;
	s1 =	sshll.u32 s1, $0x11  }
0xc0: {  	s0 =	sor.u32 s1, s0  }
0xc1: {  	s0 =	sadd.s32 $0x8F2B, s0  }
0xc2: {  	[sflag:s0] =	ssyncadd.remote.s32 $0x1  }
0xc3: {  	_ =	sfence.sel $0xFFFF  }
0xc4: {  	[dreg:$0x0] =	wrdreg $0xFFFFFFFF;
	(pc) =	sbr.abs _section_cstart, $3  }
0xc5: {  	[dreg:$0x1] =	wrdreg $0xFFFFFFFF  }
0xc6: {  	_ =	task.clear_ibuf [dreg:s9], $0x2FFFF;
	_ =	strace $0x9FFFFFFF  }
0xc7: {  	(tm) =	ssettm $0x7FFFFFFF  }
tec
execute0_lowered:
.L_overlay_start_1:
0x0: {  	(tag) =	ssettag $0x1  }
0x1: {  	s0 =	rddreg [dreg:$0x0]  }
0x2: {  	s1 =	rddreg [dreg:$0x1]  }
0x3: {  	s2 =	srdreg.scid;
	s3 =	rddreg [dreg:$0x3]  }
0x4: {  	s7 =	stileid.u32;
	s4 =	rddreg [dreg:$0x4]  }
0x5: {  	s16 =	simm.s32 $0x2400;
	s28 =	simm.s32 $0xB;
	s9 =	smul.u32 $0x190000, s7  }
0x6: {  	s29 =	simm.s32 $0x4;
	s2 =	sand.u32 $0x1, s2;
	s22 =	smul.u32 $0x32000, s7  }
0x7: {  	s30 =	simm.s32 $0x8;
	s5 =	sshll.u32 s7, $0x1;
	s11 =	smul.u32 $0xC8000, s2  }
0x8: {  	s6 =	sor.u32 s2, s5;
	s10 =	ssub.s32 $0x2, s2;
	s2 =	smul.u32 $0x19000, s2  }
0x9: {  	s31 =	simm.s32 $0xC;
	p0 =	sne.s32 s7, $0x0;
	s8 =	smul.u32 $0x380, s6  }
0xa: {  	s7 =	simm.s32 $0x0;
	s5 =	simm.s32 $0x0;
	s12 =	smul.u32 $0x19000, s6  }
0xb: {  	[smem:$0x7FF] =	sst s5;
	s17 =	sshrl.u32 s10, $0x1;
	s18 =	smul.u32 $0xC8000, s6  }
0xc: {  	s6 =	smul.u32 $0x1900, s6;
	_ =	strace $0x80000047;
	s9 =	sadd.s32 s11, s9  }
0xd: {  	s1 =	sadd.s32 s8, s1;
	s8 =	ssub.s32 s10, s17;
	s19 =	sadd.s32 $0x18000, s9  }
0xe: {  	s20 =	sadd.s32 s0, s12;
	s10 =	sshrl.u32 s18, $0x3;
	s21 =	sadd.s32 $0x14000, s9  }
0xf: {  	s23 =	sadd.s32 $0x10000, s9;
	s24 =	sadd.s32 $0xC000, s9;
	s9 =	sadd.s32 $0x8000, s9  }
0x10: {  	s17 =	simm.s32 $0x6400;
	s18 =	simm.s32 $0xA400;
	s1 =	sadd.s32 $0x400, s1  }
0x11: {  	[dreg:$0xb] =	wrdreg s20;
	s11 =	sadd.s32 $0x800, s20;
	s10 =	sadd.s32 s3, s10  }
0x12: {  	s8 =	smax.u32 s8, $0x1;
	[dreg:$0xf] =	wrdreg s21;
	s9 =	sshrl.u32 s9, $0x3  }
0x13: {  	s20 =	simm.s32 $0x80;
	s21 =	simm.s32 $0xE400;
	[dreg:$0xa] =	wrdreg s1  }
0x14: {  	s1 =	sshrl.u32 s19, $0x3;
	[dreg:$0xc] =	wrdreg s11;
	s10 =	sadd.s32 $0x18800, s10  }
0x15: {  	[dreg:$0xe] =	wrdreg s8;
	s8 =	sshrl.u32 s23, $0x3;
	s26 =	sadd.s32 s9, s0  }
0x16: {  	s19 =	simm.s32 $0x1;
	s23 =	simm.s32 $0x6;
	[dreg:$0xd] =	wrdreg s10  }
0x17: {  	s1 =	sadd.s32 s1, s0;
	s8 =	sadd.s32 s8, s0;
	[dreg:$0x9] =	wrdreg s26  }
0x18: {  	s10 =	sshrl.u32 s24, $0x3;
	s24 =	simm.s32 $0x12400;
	[dreg:$0x6] =	wrdreg s1  }
0x19: {  	s26 =	simm.s32 $0x7;
	[dreg:$0x7] =	wrdreg s8;
	s25 =	sadd.s32 s10, s0  }
0x1a: {  	s1 =	sadd.s32 s22, s3;
	s0 =	sshrl.u32 @!p0 s4, $0x3;
	[dreg:$0x8] =	wrdreg s25  }
0x1b: {  	s22 =	simm.s32 $0x2;
	s13 =	sadd.s32 s2, s1;
	[dreg:$0x10] =	wrdreg s0  }
0x1c: {  	s25 =	simm.s32 $0x3;
	s2 =	simm.s32 $0x5;
	s1 =	simm.s32 $0x9  }
.LBB2_1:
0x1d: {  	[dreg:$0x11] =	wrdreg s7  }
0x1e: {  	s0 =	rddreg [dreg:$0x2]  }
0x1f: {  	s7 =	simm.s32 @!p0 $0x1C10;
	s3 =	rddreg [dreg:$0x10]  }
0x20: {  	[spmem:s3], [sflag:s7] =	dma.local @!p0 [hbm:s0], $0x1000  }
0x21: {  	s7 =	simm.s32 @!p0 $0x10  }
0x22: {  	_ =	swait.ge @!p0 [sflag:s7], $0x1000  }
0x23: {  	[sflag:s7] =	ssyncset.done @!p0 $0x0  }
0x24: {  	s12 =	simm.s32 $0x10;
	s11 =	rddreg [dreg:$0xa];
	[sflag:s7] =	ssyncadd.s32 @!p0 $0xFFFFF000  }
0x25: {  	[tilespmem:s5], [sflag:$0x10] =	stream.linear.gather [hbm4b:s11+s5], $0x1900, $0x38;
	[tilespmem:$0x16400] =	vst v63  }
0x26: {  	_ =	swait.ge [sflag:s12], $0x1900  }
0x27: {  	[sflag:s12] =	ssyncset.done $0x0  }
0x28: {  	[sflag:s12] =	ssyncadd.s32 $0xFFFFE700  }
0x29: {  	[bflag:$0x0] =	sbarrier.arrive $0xFFFF  }
0x2a: {  	p1 =	por $0x1, $0x1;
	s14 =	rddreg [dreg:$0xb]  }
0x2b: {  	[tilespmem:s16], [sflag:$0x1] =	stream.linear.gather [hbm4b:s14+s5], $0x4000, $0x38;
	[tilespmem:$0x16400] =	vst v63  }
0x2c: {  	s7 =	simm.s32 @!p1 $0xD;
	s15 =	rddreg [dreg:$0xc]  }
0x2d: {  	[tilespmem:s17], [sflag:$0x2] =	stream.linear.gather [hbm4b:s15+s5], $0x4000, $0x38;
	[tilespmem:$0x16400] =	vst v63  }
0x2e: {  	_ =	swait.ge @!p1 [sflag:s7], $0x4000  }
0x2f: {  	s9 =	rddreg [dreg:$0x9];
	[sflag:s7] =	ssyncset.done @!p1 $0x0  }
0x30: {  	[sflag:s7] =	ssyncadd.s32 @!p1 $0xFFFFC000;
	s0 =	sadd.s32 $0x0, s9  }
0x31: {  	[tilespmem:s18], [sflag:$0x3] =	stream.linear.gather [hbm4b:s0+s5], $0x4000, $0x38;
	[tilespmem:$0x16400] =	vst v63  }
0x32: {  	_ =	swait.ge [sflag:s19], $0x4000  }
0x33: {  	[sflag:s19] =	ssyncset.done $0x0  }
0x34: {  	s7 =	simm.s32 @!p1 $0xA;
	[sflag:s19] =	ssyncadd.s32 $0xFFFFC000  }
0x35: {  	[tilespmem:s16], [sflag:$0x6] =	stream.indirect.gather.add.f32 [spmem:s4], $0x80, s5, s20, $0xb8;
	[tilespmem:$0x16400] =	vst v63  }
0x36: {  	s10 =	sadd.s32 @!p1 $0x0, s13;
	_ =	swait.ge @!p1 [sflag:s7], $0x4000  }
0x37: {  	s11 =	simm.s32 @!p1 $0x12400;
	s9 =	simm.s32 @!p1 $0xE;
	[sflag:s7] =	ssyncset.done @!p1 $0x0  }
0x38: {  	[sflag:s7] =	ssyncadd.s32 @!p1 $0xFFFFC000;
	s7 =	sadd.s32 @!p1 $0xFFFFF800, s10;
	s10 =	simm.s32 @!p1 $0x0  }
0x39: {  	[hbm4b:s7+s10] =	stream.linear.scatter @!p1 [tilespmem:s11], [sflag:$0xF], $0x4000, $0x38;
	[tilespmem:$0x16400] =	vst v63  }
0x3a: {  	_ =	swait.ge @!p1 [sflag:s9], $0x4000  }
0x3b: {  	s3 =	rddreg [dreg:$0x8];
	[sflag:s9] =	ssyncset.done @!p1 $0x0  }
0x3c: {  	[sflag:s9] =	ssyncadd.s32 @!p1 $0xFFFFC000;
	s7 =	sadd.s32 $0x0, s3  }
0x3d: {  	[tilespmem:s21], [sflag:$0x4] =	stream.linear.gather [hbm4b:s7+s5], $0x4000, $0x38;
	[tilespmem:$0x16400] =	vst v63  }
0x3e: {  	s7 =	simm.s32 $0x0;
	_ =	swait.ge [sflag:s22], $0x4000  }
0x3f: {  	s7 =	simm.s32 @p1 $0x0;
	[sflag:s22] =	ssyncset.done $0x0  }
0x40: {  	s8 =	sadd.s32 $0x80, s7;
	[sflag:s22] =	ssyncadd.s32 $0xFFFFC000  }
0x41: {  	[tilespmem:s17], [sflag:$0x7] =	stream.indirect.gather.add.f32 [spmem:s4], $0x80, s8, s20, $0xb8;
	[tilespmem:$0x16400] =	vst v63  }
0x42: {  	_ =	swait.ge [sflag:s23], $0x4000  }
0x43: {  	[sflag:s23] =	ssyncset.done $0x0  }
0x44: {  	s7 =	sadd.s32 s6, s7;
	[sflag:s23] =	ssyncadd.s32 $0xFFFFC000  }
0x45: {  	s7 =	sshll.u32 s7, $0x4;
	s11 =	rddreg [dreg:$0x3]  }
0x46: {  	s10 =	simm.s32 @!p1 $0xF;
	s7 =	sadd.s32 s11, s7  }
0x47: {  	[hbm4b:s7+s5] =	stream.linear.scatter [tilespmem:s16], [sflag:$0xB], $0x4000, $0x38;
	[tilespmem:$0x16400] =	vst v63  }
0x48: {  	_ =	swait.ge @!p1 [sflag:s10], $0x4000  }
0x49: {  	s12 =	rddreg [dreg:$0x7];
	[sflag:s10] =	ssyncset.done @!p1 $0x0  }
0x4a: {  	[sflag:s10] =	ssyncadd.s32 @!p1 $0xFFFFC000;
	s7 =	sadd.s32 $0x0, s12  }
0x4b: {  	[tilespmem:s24], [sflag:$0x5] =	stream.linear.gather [hbm4b:s7+s5], $0x4000, $0x38;
	[tilespmem:$0x16400] =	vst v63  }
0x4c: {  	_ =	swait.ge [sflag:s25], $0x4000  }
0x4d: {  	[sflag:s25] =	ssyncset.done $0x0  }
0x4e: {  	s14 =	simm.s32 $0x100;
	[sflag:s25] =	ssyncadd.s32 $0xFFFFC000  }
0x4f: {  	[tilespmem:s18], [sflag:$0x8] =	stream.indirect.gather.add.f32 [spmem:s4], $0x80, s14, s20, $0xb8;
	[tilespmem:$0x16400] =	vst v63  }
0x50: {  	s15 =	sadd.s32 s6, s8;
	_ =	swait.ge [sflag:s26], $0x4000  }
0x51: {  	s7 =	sshll.u32 s15, $0x4;
	[sflag:s26] =	ssyncset.done $0x0  }
0x52: {  	s7 =	sadd.s32 s11, s7;
	[sflag:s26] =	ssyncadd.s32 $0xFFFFC000  }
0x53: {  	[hbm4b:s7+s5] =	stream.linear.scatter [tilespmem:s17], [sflag:$0xC], $0x4000, $0x38;
	[tilespmem:$0x16400] =	vst v63  }
0x54: {  	_ =	swait.ge [sflag:s28], $0x4000  }
0x55: {  	[sflag:s28] =	ssyncset.done $0x0  }
0x56: {  	p1 =	por $0x0, $0x0;
	s3 =	rddreg [dreg:$0xf];
	[sflag:s28] =	ssyncadd.s32 $0xFFFFC000  }
0x57: {  	s7 =	sshrl.u32 @!p1 s3, $0x3;
	s0 =	rddreg [dreg:$0x0]  }
0x58: {  	s9 =	simm.s32 @!p1 $0x2400;
	s10 =	simm.s32 @!p1 $0x0;
	s7 =	sadd.s32 @!p1 s0, s7  }
0x59: {  	[tilespmem:s9], [sflag:$0x1] =	stream.linear.gather @!p1 [hbm4b:s7+s10], $0x4000, $0x38;
	[tilespmem:$0x16400] =	vst v63  }
0x5a: {  	_ =	swait.ge [sflag:s29], $0x4000  }
0x5b: {  	[sflag:s29] =	ssyncset.done $0x0  }
0x5c: {  	s0 =	simm.s32 $0x180;
	[sflag:s29] =	ssyncadd.s32 $0xFFFFC000  }
0x5d: {  	[tilespmem:s21], [sflag:$0x9] =	stream.indirect.gather.add.f32 [spmem:s4], $0x80, s0, s20, $0xb8;
	[tilespmem:$0x16400] =	vst v63  }
0x5e: {  	_ =	swait.ge [sflag:s30], $0x4000  }
0x5f: {  	s8 =	sadd.s32 $0x0, s13;
	[sflag:s30] =	ssyncset.done $0x0  }
0x60: {  	s9 =	sadd.s32 $0x1000, s8;
	[sflag:s30] =	ssyncadd.s32 $0xFFFFC000  }
0x61: {  	[hbm4b:s9+s5] =	stream.linear.scatter [tilespmem:s18], [sflag:$0xD], $0x4000, $0x38;
	[tilespmem:$0x16400] =	vst v63  }
0x62: {  	_ =	swait.ge [sflag:s31], $0x4000  }
0x63: {  	s7 =	rddreg [dreg:$0x6];
	[sflag:s31] =	ssyncset.done $0x0  }
0x64: {  	s9 =	simm.s32 @!p1 $0x6400;
	[sflag:s31] =	ssyncadd.s32 $0xFFFFC000;
	s7 =	sadd.s32 @!p1 $0x0, s7  }
0x65: {  	[tilespmem:s9], [sflag:$0x2] =	stream.linear.gather @!p1 [hbm4b:s7+s10], $0x4000, $0x38;
	[tilespmem:$0x16400] =	vst v63  }
0x66: {  	_ =	swait.ge [sflag:s2], $0x4000  }
0x67: {  	p2 =	por $0x0, $0x0;
	s12 =	simm.s32 $0x200;
	[sflag:s2] =	ssyncset.done $0x0  }
0x68: {  	s15 =	simm.s32 $0x2800;
	s14 =	simm.s32 $0x280;
	[sflag:s2] =	ssyncadd.s32 $0xFFFFC000  }
0x69: {  	[tilespmem:s24], [sflag:$0xA] =	stream.indirect.gather.add.f32 [spmem:s4], $0x80, s12, s20, $0xb8;
	[tilespmem:$0x16400] =	vst v63  }
0x6a: {  	s10 =	simm.s32 $0x5000;
	s7 =	sadd.s32 $0x14000, s3;
	_ =	swait.ge [sflag:s1], $0x4000  }
0x6b: {  	s9 =	simm.s32 $0x280;
	s12 =	sadd.s32 $0x1800, s8;
	[sflag:s1] =	ssyncset.done $0x0  }
.LBB2_2:
0x6c: {  	s8 =	simm.s32 @!p2 $0xD;
	[sflag:s1] =	ssyncadd.s32 $0xFFFFC000  }
0x6d: {  	[hbm4b:s12+s5] =	stream.linear.scatter [tilespmem:s21], [sflag:$0xE], $0x4000, $0x38;
	[tilespmem:$0x16400] =	vst v63  }
0x6e: {  	_ =	swait.ge @!p2 [sflag:s8], $0x4000  }
0x6f: {  	[sflag:s8] =	ssyncset.done @!p2 $0x0;
	s0 =	rddreg [dreg:$0x9]  }
0x70: {  	[sflag:s8] =	ssyncadd.s32 @!p2 $0xFFFFC000;
	s3 =	sadd.s32 s15, s0  }
0x71: {  	[tilespmem:s18], [sflag:$0x3] =	stream.linear.gather [hbm4b:s3+s5], $0x4000, $0x38;
	[tilespmem:$0x16400] =	vst v63  }
0x72: {  	_ =	swait.ge [sflag:s19], $0x4000  }
0x73: {  	[sflag:s19] =	ssyncset.done $0x0  }
0x74: {  	s8 =	simm.s32 @!p2 $0xA;
	[sflag:s19] =	ssyncadd.s32 $0xFFFFC000  }
0x75: {  	[tilespmem:s16], [sflag:$0x6] =	stream.indirect.gather.add.f32 [spmem:s4], $0x80, s14, s20, $0xb8;
	[tilespmem:$0x16400] =	vst v63  }
0x76: {  	s12 =	simm.s32 @!p2 $0xE;
	_ =	swait.ge @!p2 [sflag:s8], $0x4000  }
0x77: {  	s0 =	sadd.s32 @!p2 s15, s13;
	s3 =	simm.s32 @!p2 $0x12400;
	[sflag:s8] =	ssyncset.done @!p2 $0x0  }
0x78: {  	s0 =	sadd.s32 @!p2 $0xFFFFF800, s0;
	[sflag:s8] =	ssyncadd.s32 @!p2 $0xFFFFC000;
	s8 =	simm.s32 @!p2 $0x0  }
0x79: {  	[hbm4b:s0+s8] =	stream.linear.scatter @!p2 [tilespmem:s3], [sflag:$0xF], $0x4000, $0x38;
	[tilespmem:$0x16400] =	vst v63  }
0x7a: {  	_ =	swait.ge @!p2 [sflag:s12], $0x4000  }
0x7b: {  	[sflag:s12] =	ssyncset.done @!p2 $0x0;
	s8 =	rddreg [dreg:$0x8]  }
0x7c: {  	[sflag:s12] =	ssyncadd.s32 @!p2 $0xFFFFC000;
	s0 =	sadd.s32 s15, s8  }
0x7d: {  	[tilespmem:s21], [sflag:$0x4] =	stream.linear.gather [hbm4b:s0+s5], $0x4000, $0x38;
	[tilespmem:$0x16400] =	vst v63  }
0x7e: {  	s0 =	smov.u32 s9;
	_ =	swait.ge [sflag:s22], $0x4000  }
0x7f: {  	s0 =	simm.s32 @p2 $0x0;
	[sflag:s22] =	ssyncset.done $0x0  }
0x80: {  	s12 =	sadd.s32 $0x80, s0;
	[sflag:s22] =	ssyncadd.s32 $0xFFFFC000  }
0x81: {  	[tilespmem:s17], [sflag:$0x7] =	stream.indirect.gather.add.f32 [spmem:s4], $0x80, s12, s20, $0xb8;
	[tilespmem:$0x16400] =	vst v63  }
0x82: {  	_ =	swait.ge [sflag:s23], $0x4000  }
0x83: {  	[sflag:s23] =	ssyncset.done $0x0  }
0x84: {  	s0 =	sadd.s32 s6, s0;
	[sflag:s23] =	ssyncadd.s32 $0xFFFFC000  }
0x85: {  	s0 =	sshll.u32 s0, $0x4;
	s3 =	sadd.s32 s6, s12;
	s12 =	rddreg [dreg:$0x3]  }
0x86: {  	s8 =	simm.s32 @!p2 $0xF;
	s0 =	sadd.s32 s12, s0  }
0x87: {  	[hbm4b:s0+s5] =	stream.linear.scatter [tilespmem:s16], [sflag:$0xB], $0x4000, $0x38;
	[tilespmem:$0x16400] =	vst v63  }
0x88: {  	_ =	swait.ge @!p2 [sflag:s8], $0x4000  }
0x89: {  	[sflag:s8] =	ssyncset.done @!p2 $0x0;
	s0 =	rddreg [dreg:$0x7]  }
0x8a: {  	[sflag:s8] =	ssyncadd.s32 @!p2 $0xFFFFC000;
	s0 =	sadd.s32 s15, s0  }
0x8b: {  	[tilespmem:s24], [sflag:$0x5] =	stream.linear.gather [hbm4b:s0+s5], $0x4000, $0x38;
	[tilespmem:$0x16400] =	vst v63  }
0x8c: {  	_ =	swait.ge [sflag:s25], $0x4000  }
0x8d: {  	[sflag:s25] =	ssyncset.done $0x0  }
0x8e: {  	s8 =	sadd.s32 $0x100, s14;
	[sflag:s25] =	ssyncadd.s32 $0xFFFFC000  }
0x8f: {  	[tilespmem:s18], [sflag:$0x8] =	stream.indirect.gather.add.f32 [spmem:s4], $0x80, s8, s20, $0xb8;
	[tilespmem:$0x16400] =	vst v63  }
0x90: {  	_ =	swait.ge [sflag:s26], $0x4000  }
0x91: {  	s3 =	sshll.u32 s3, $0x4;
	[sflag:s26] =	ssyncset.done $0x0  }
0x92: {  	s12 =	sadd.s32 s12, s3;
	[sflag:s26] =	ssyncadd.s32 $0xFFFFC000  }
0x93: {  	[hbm4b:s12+s5] =	stream.linear.scatter [tilespmem:s17], [sflag:$0xC], $0x4000, $0x38;
	[tilespmem:$0x16400] =	vst v63  }
0x94: {  	_ =	swait.ge [sflag:s28], $0x4000  }
0x95: {  	[sflag:s28] =	ssyncset.done $0x0  }
0x96: {  	p2 =	seq.s32 s15, $0x16800;
	[sflag:s28] =	ssyncadd.s32 $0xFFFFC000  }
0x97: {  	s0 =	sshrl.u32 @!p2 s7, $0x3;
	s8 =	rddreg [dreg:$0x0]  }
0x98: {  	s3 =	simm.s32 @!p2 $0x2400;
	s0 =	sadd.s32 @!p2 s8, s0;
	s8 =	simm.s32 @!p2 $0x0  }
0x99: {  	[tilespmem:s3], [sflag:$0x1] =	stream.linear.gather @!p2 [hbm4b:s0+s8], $0x4000, $0x38;
	[tilespmem:$0x16400] =	vst v63  }
0x9a: {  	_ =	swait.ge [sflag:s29], $0x4000  }
0x9b: {  	[sflag:s29] =	ssyncset.done $0x0  }
0x9c: {  	s3 =	sadd.s32 $0x180, s14;
	[sflag:s29] =	ssyncadd.s32 $0xFFFFC000  }
0x9d: {  	[tilespmem:s21], [sflag:$0x9] =	stream.indirect.gather.add.f32 [spmem:s4], $0x80, s3, s20, $0xb8;
	[tilespmem:$0x16400] =	vst v63  }
0x9e: {  	_ =	swait.ge [sflag:s30], $0x4000  }
0x9f: {  	s0 =	sadd.s32 s15, s13;
	[sflag:s30] =	ssyncset.done $0x0  }
0xa0: {  	s12 =	sadd.s32 $0x1000, s0;
	[sflag:s30] =	ssyncadd.s32 $0xFFFFC000  }
0xa1: {  	[hbm4b:s12+s5] =	stream.linear.scatter [tilespmem:s18], [sflag:$0xD], $0x4000, $0x38;
	[tilespmem:$0x16400] =	vst v63  }
0xa2: {  	s11 =	smov.u32 s10;
	_ =	swait.ge [sflag:s31], $0x4000  }
0xa3: {  	s10 =	sadd.s32 $0x2800, s10;
	s3 =	rddreg [dreg:$0x6];
	[sflag:s31] =	ssyncset.done $0x0  }
0xa4: {  	s12 =	simm.s32 @!p2 $0x6400;
	[sflag:s31] =	ssyncadd.s32 $0xFFFFC000;
	s3 =	sadd.s32 @!p2 s15, s3  }
0xa5: {  	[tilespmem:s12], [sflag:$0x2] =	stream.linear.gather @!p2 [hbm4b:s3+s8], $0x4000, $0x38;
	[tilespmem:$0x16400] =	vst v63  }
0xa6: {  	p1 =	sne.s32 s10, $0x19000;
	_ =	swait.ge [sflag:s2], $0x4000  }
.Ltmp0:
0xa7: {  	s9 =	sadd.s32 $0x280, s9;
	[sflag:s2] =	ssyncset.done $0x0;
	(pc) =	sbr.rel @p1 .LBB2_2-.Ltmp0, $4  }
0xa8: {  	s7 =	sadd.s32 $0x14000, s7;
	s12 =	sadd.s32 $0x200, s14;
	[sflag:s2] =	ssyncadd.s32 $0xFFFFC000  }
0xa9: {  	[tilespmem:s24], [sflag:$0xA] =	stream.indirect.gather.add.f32 [spmem:s4], $0x80, s12, s20, $0xb8;
	[tilespmem:$0x16400] =	vst v63  }
0xaa: {  	s15 =	smov.u32 s11;
	s14 =	sadd.s32 $0x280, s14;
	_ =	swait.ge [sflag:s1], $0x4000  }
0xab: {  	p2 =	seq.s32 s15, $0x0;
	s12 =	sadd.s32 $0x1800, s0;
	[sflag:s1] =	ssyncset.done $0x0  }
0xac: {  	s0 =	simm.s32 @!p2 $0xD;
	[sflag:s1] =	ssyncadd.s32 $0xFFFFC000  }
0xad: {  	[hbm4b:s12+s5] =	stream.linear.scatter [tilespmem:s21], [sflag:$0xE], $0x4000, $0x38;
	[tilespmem:$0x16400] =	vst v63  }
0xae: {  	_ =	swait.ge @!p2 [sflag:s0], $0x4000  }
0xaf: {  	s3 =	rddreg [dreg:$0x9];
	[sflag:s0] =	ssyncset.done @!p2 $0x0  }
0xb0: {  	[sflag:s0] =	ssyncadd.s32 @!p2 $0xFFFFC000;
	s11 =	sadd.s32 s15, s3  }
0xb1: {  	[tilespmem:s18], [sflag:$0x3] =	stream.linear.gather [hbm4b:s11+s5], $0x4000, $0x38;
	[tilespmem:$0x16400] =	vst v63  }
0xb2: {  	_ =	swait.ge [sflag:s19], $0x4000  }
0xb3: {  	[sflag:s19] =	ssyncset.done $0x0  }
0xb4: {  	s0 =	simm.s32 @!p2 $0xA;
	[sflag:s19] =	ssyncadd.s32 $0xFFFFC000  }
0xb5: {  	[tilespmem:s16], [sflag:$0x6] =	stream.indirect.gather.add.f32 [spmem:s4], $0x80, s14, s20, $0xb8;
	[tilespmem:$0x16400] =	vst v63  }
0xb6: {  	_ =	swait.ge @!p2 [sflag:s0], $0x4000  }
0xb7: {  	s8 =	simm.s32 @!p2 $0x12400;
	s3 =	sadd.s32 @!p2 s15, s13;
	[sflag:s0] =	ssyncset.done @!p2 $0x0  }
0xb8: {  	[sflag:s0] =	ssyncadd.s32 @!p2 $0xFFFFC000;
	s0 =	sadd.s32 @!p2 $0xFFFFF800, s3;
	s3 =	simm.s32 @!p2 $0x0  }
0xb9: {  	[hbm4b:s0+s3] =	stream.linear.scatter @!p2 [tilespmem:s8], [sflag:$0xF], $0x4000, $0x38;
	[tilespmem:$0x16400] =	vst v63  }
0xba: {  	s0 =	simm.s32 @!p2 $0xE  }
0xbb: {  	_ =	swait.ge @!p2 [sflag:s0], $0x4000  }
0xbc: {  	s12 =	rddreg [dreg:$0x8];
	[sflag:s0] =	ssyncset.done @!p2 $0x0  }
0xbd: {  	[sflag:s0] =	ssyncadd.s32 @!p2 $0xFFFFC000;
	s8 =	sadd.s32 s15, s12  }
0xbe: {  	[tilespmem:s21], [sflag:$0x4] =	stream.linear.gather [hbm4b:s8+s5], $0x4000, $0x38;
	[tilespmem:$0x16400] =	vst v63  }
0xbf: {  	_ =	swait.ge [sflag:s22], $0x4000  }
0xc0: {  	s9 =	simm.s32 @p2 $0x0;
	[sflag:s22] =	ssyncset.done $0x0  }
0xc1: {  	s0 =	sadd.s32 $0x80, s9;
	[sflag:s22] =	ssyncadd.s32 $0xFFFFC000  }
0xc2: {  	[tilespmem:s17], [sflag:$0x7] =	stream.indirect.gather.add.f32 [spmem:s4], $0x80, s0, s20, $0xb8;
	[tilespmem:$0x16400] =	vst v63  }
0xc3: {  	_ =	swait.ge [sflag:s23], $0x4000  }
0xc4: {  	[sflag:s23] =	ssyncset.done $0x0  }
0xc5: {  	s10 =	sadd.s32 s6, s9;
	[sflag:s23] =	ssyncadd.s32 $0xFFFFC000  }
0xc6: {  	s3 =	sshll.u32 s10, $0x4;
	s11 =	rddreg [dreg:$0x3]  }
0xc7: {  	s8 =	simm.s32 @!p2 $0xF;
	s3 =	sadd.s32 s11, s3  }
0xc8: {  	[hbm4b:s3+s5] =	stream.linear.scatter [tilespmem:s16], [sflag:$0xB], $0x4000, $0x38;
	[tilespmem:$0x16400] =	vst v63  }
0xc9: {  	_ =	swait.ge @!p2 [sflag:s8], $0x4000  }
0xca: {  	s12 =	rddreg [dreg:$0x7];
	[sflag:s8] =	ssyncset.done @!p2 $0x0  }
0xcb: {  	[sflag:s8] =	ssyncadd.s32 @!p2 $0xFFFFC000;
	s3 =	sadd.s32 s15, s12  }
0xcc: {  	[tilespmem:s24], [sflag:$0x5] =	stream.linear.gather [hbm4b:s3+s5], $0x4000, $0x38;
	[tilespmem:$0x16400] =	vst v63  }
0xcd: {  	_ =	swait.ge [sflag:s25], $0x4000  }
0xce: {  	[sflag:s25] =	ssyncset.done $0x0  }
0xcf: {  	s8 =	sadd.s32 $0x100, s14;
	[sflag:s25] =	ssyncadd.s32 $0xFFFFC000  }
0xd0: {  	[tilespmem:s18], [sflag:$0x8] =	stream.indirect.gather.add.f32 [spmem:s4], $0x80, s8, s20, $0xb8;
	[tilespmem:$0x16400] =	vst v63  }
0xd1: {  	s0 =	sadd.s32 s6, s0;
	_ =	swait.ge [sflag:s26], $0x4000  }
0xd2: {  	s0 =	sshll.u32 s0, $0x4;
	[sflag:s26] =	ssyncset.done $0x0  }
0xd3: {  	s0 =	sadd.s32 s11, s0;
	[sflag:s26] =	ssyncadd.s32 $0xFFFFC000  }
0xd4: {  	[hbm4b:s0+s5] =	stream.linear.scatter [tilespmem:s17], [sflag:$0xC], $0x4000, $0x38;
	[tilespmem:$0x16400] =	vst v63  }
0xd5: {  	_ =	swait.ge [sflag:s28], $0x4000  }
0xd6: {  	[sflag:s28] =	ssyncset.done $0x0  }
0xd7: {  	p1 =	seq.s32 s15, $0x16800;
	[sflag:s28] =	ssyncadd.s32 $0xFFFFC000  }
0xd8: {  	s0 =	sshrl.u32 @!p1 s7, $0x3;
	s7 =	rddreg [dreg:$0x0]  }
0xd9: {  	s3 =	simm.s32 @!p1 $0x2400;
	s0 =	sadd.s32 @!p1 s7, s0;
	s7 =	simm.s32 @!p1 $0x0  }
0xda: {  	[tilespmem:s3], [sflag:$0x1] =	stream.linear.gather @!p1 [hbm4b:s0+s7], $0x4000, $0x38;
	[tilespmem:$0x16400] =	vst v63  }
0xdb: {  	_ =	swait.ge [sflag:s29], $0x4000  }
0xdc: {  	[sflag:s29] =	ssyncset.done $0x0  }
0xdd: {  	s10 =	sadd.s32 $0x180, s14;
	[sflag:s29] =	ssyncadd.s32 $0xFFFFC000  }
0xde: {  	[tilespmem:s21], [sflag:$0x9] =	stream.indirect.gather.add.f32 [spmem:s4], $0x80, s10, s20, $0xb8;
	[tilespmem:$0x16400] =	vst v63  }
0xdf: {  	_ =	swait.ge [sflag:s30], $0x4000  }
0xe0: {  	s11 =	sadd.s32 s15, s13;
	[sflag:s30] =	ssyncset.done $0x0  }
0xe1: {  	s12 =	sadd.s32 $0x1000, s11;
	[sflag:s30] =	ssyncadd.s32 $0xFFFFC000  }
0xe2: {  	[hbm4b:s12+s5] =	stream.linear.scatter [tilespmem:s18], [sflag:$0xD], $0x4000, $0x38;
	[tilespmem:$0x16400] =	vst v63  }
0xe3: {  	_ =	swait.ge [sflag:s31], $0x4000  }
0xe4: {  	s3 =	rddreg [dreg:$0x6];
	[sflag:s31] =	ssyncset.done $0x0  }
0xe5: {  	s8 =	simm.s32 @!p1 $0x6400;
	[sflag:s31] =	ssyncadd.s32 $0xFFFFC000;
	s3 =	sadd.s32 @!p1 s15, s3  }
0xe6: {  	[tilespmem:s8], [sflag:$0x2] =	stream.linear.gather @!p1 [hbm4b:s3+s7], $0x4000, $0x38;
	[tilespmem:$0x16400] =	vst v63  }
0xe7: {  	_ =	swait.ge [sflag:s2], $0x4000  }
0xe8: {  	[sflag:s2] =	ssyncset.done $0x0  }
0xe9: {  	s7 =	sadd.s32 $0x200, s14;
	[sflag:s2] =	ssyncadd.s32 $0xFFFFC000  }
0xea: {  	[tilespmem:s24], [sflag:$0xA] =	stream.indirect.gather.add.f32 [spmem:s4], $0x80, s7, s20, $0xb8;
	[tilespmem:$0x16400] =	vst v63  }
0xeb: {  	_ =	swait.ge [sflag:s1], $0x4000  }
0xec: {  	[sflag:s1] =	ssyncset.done $0x0  }
0xed: {  	s0 =	sadd.s32 $0x1800, s11;
	s8 =	simm.s32 $0xA;
	[sflag:s1] =	ssyncadd.s32 $0xFFFFC000  }
0xee: {  	[hbm4b:s0+s5] =	stream.linear.scatter [tilespmem:s21], [sflag:$0xE], $0x4000, $0x38;
	[tilespmem:$0x16400] =	vst v63  }
0xef: {  	_ =	swait.ge [sflag:s8], $0x4000  }
0xf0: {  	[sflag:s8] =	ssyncset.done $0x0  }
0xf1: {  	s10 =	simm.s32 $0xF;
	s9 =	rddreg [dreg:$0xd];
	[sflag:s8] =	ssyncadd.s32 $0xFFFFC000  }
0xf2: {  	[hbm4b:s9+s5] =	stream.linear.scatter [tilespmem:s24], [sflag:$0xF], $0x4000, $0x38;
	[tilespmem:$0x16400] =	vst v63  }
0xf3: {  	_ =	swait.ge [sflag:s10], $0x4000  }
0xf4: {  	[sflag:s10] =	ssyncset.done $0x0  }
0xf5: {  	s11 =	simm.s32 $0xE;
	[sflag:s10] =	ssyncadd.s32 $0xFFFFC000  }
0xf6: {  	_ =	swait.ge [sflag:s11], $0x4000  }
0xf7: {  	[sflag:s11] =	ssyncset.done $0x0  }
0xf8: {  	s12 =	simm.s32 $0xD;
	[sflag:s11] =	ssyncadd.s32 $0xFFFFC000  }
0xf9: {  	_ =	swait.ge [sflag:s12], $0x4000  }
0xfa: {  	s14 =	rddreg [dreg:$0x11]  }
0xfb: {  	s15 =	rddreg [dreg:$0xe];
	s7 =	sadd.s32 $0x1, s14  }
0xfc: {  	p1 =	sne.s32 s7, s15  }
.Ltmp1:
0xfd: {  	_ = 	snop;
	(pc) =	sbr.rel @p1 .LBB2_1-.Ltmp1, $3  }
0xfe: {  	_ =	sdelay $0x1  }
0xff: {  	[sflag:s12] =	ssyncset.done $0x0  }
0x100: {  	[sflag:s12] =	ssyncadd.s32 $0xFFFFC000  }
0x101: {  	_ =	sfence.sel $0x180000  }
0x102: {  	[bflag:$0x0] =	sbarrier.arrive $0xFFFF  }
0x103: {  	_ =	strace $0x90000047  }
0x104: {  	[bflag:$0x2] =	sbarrier.arrive $0xFFFF  }
0x105: {  	s0 =	rddreg [dreg:$0x5]  }
0x106: {  	s0 =	sadd.s32 @!p0 $0x100000, s0  }
0x107: {  	[sflag:s0] =	ssyncadd.tile.s32 @!p0 $0x1;
	_ =	shalt  }
.Lfunc_end2:
_tile_overlayer_lowered:
.L_overlay_start_2:
0x108: {  	(tag) =	ssettag $0x2  }
0x109: {  	s0 =	rddreg [dreg:$0x0];
	s2 =	stileid.u32  }
0x10a: {  	s1 =	rddreg [dreg:$0x1];
	p0 =	sne.s32 s2, $0x0  }
0x10b: {  	s3 =	rddreg [dreg:$0x2];
	[bflag:$0x3] =	sbarrier.arrive $0xFFFF;
	s2 =	simm.s32 @!p0 $0x1C10  }
0x10c: {  	[timem:s3], [sflag:s2] =	dma.local @!p0 [hbm:s0], s1  }
0x10d: {  	s0 =	simm.s32 @!p0 $0x10  }
0x10e: {  	_ =	swait.ge @!p0 [sflag:s0], s1  }
0x10f: {  	s1 =	ssub.s32 @!p0 $0x0, s1;
	[sflag:s0] =	ssyncset.done @!p0 $0x0  }
0x110: {  	[sflag:s0] =	ssyncadd.s32 @!p0 s1  }
0x111: {  	[bflag:$0x3] =	sbarrier.arrive $0xFFFF  }
0x112: {  	_ =	shalt  }

</sc_bundles>
